<compile_context>
chip_gen: v7x
topology: tpu7x:2x2x1
jax: 0.10.2.dev20260603
libtpu: 0.0.44.dev20260713+nightly
codegen_flags: <defaults>
</compile_context>

<pallas_src>
import functools

import jax
import jax.numpy as jnp
from jax import lax
from jax.experimental import pallas as pl
from jax.experimental.pallas import tpu as pltpu
from jax.experimental.pallas import tpu_sc as plsc

NC = 2
NS = 16
NW = NC * NS
CHUNK = 64
PER = 128 // CHUNK
NBUF = 8
FIRE = 7
SLOTS = 4


@functools.lru_cache(maxsize=None)
def _build_gather(n_chunks_total, chunk, d):
  n_chunks_w = n_chunks_total // NW
  idx_rows_w = n_chunks_w * chunk // 128
  mesh = plsc.VectorSubcoreMesh(
      core_axis_name="c", subcore_axis_name="s",
      num_cores=NC, num_subcores=NS)

  def body(idx_hbm, table_hbm, out_hbm, idx_v, rows_v, rows_sh, *sems):
    sem_g, sem_c, sem_o = sems[:NBUF], sems[NBUF:2 * NBUF], sems[2 * NBUF:]
    sid = lax.axis_index("s")
    wid = sid * NC + lax.axis_index("c")
    first = wid * n_chunks_w
    pltpu.sync_copy(idx_hbm.at[pl.ds(wid * idx_rows_w, idx_rows_w)], idx_v)

    def fire_g(j, b):
      col = (b % PER) * chunk
      pltpu.async_copy(
          table_hbm.at[idx_v.at[j // PER, pl.ds(col, chunk)]],
          rows_v.at[b], sem_g[b])

    def wait_g(b):
      pltpu.make_async_copy(table_hbm.at[idx_v.at[0, pl.ds(0, chunk)]],
                            rows_v.at[b], sem_g[b]).wait()

    def fire_c(b):
      pltpu.async_copy(rows_v.at[b], rows_sh.at[sid, b % SLOTS], sem_c[b])

    def wait_c(b):
      pltpu.make_async_copy(rows_v.at[b], rows_sh.at[sid, b % SLOTS],
                            sem_c[b]).wait()

    def fire_o(j, s):
      pltpu.async_copy(rows_sh.at[sid, s],
                       out_hbm.at[pl.ds((first + j) * chunk, chunk)],
                       sem_o[s])

    def wait_o(s):
      pltpu.make_async_copy(rows_sh.at[sid, s],
                            out_hbm.at[pl.ds(first * chunk, chunk)],
                            sem_o[s]).wait()

    for k in range(FIRE):
      fire_g(k, k)

    def group(g, _):
      for b in range(NBUF):
        j = g * NBUF + b
        wait_g(b)

        @pl.when(j >= SLOTS)
        def _():
          wait_o(b % SLOTS)

        fire_c(b)

        bp = (b - 1) % NBUF

        @pl.when(j >= 1)
        def _():
          wait_c(bp)
          fire_o(j - 1, bp % SLOTS)

        @pl.when(j + FIRE < n_chunks_w)
        def _():
          fire_g(j + FIRE, bp)

      return 0

    lax.fori_loop(0, n_chunks_w // NBUF, group, 0)
    last = n_chunks_w - 1
    wait_c(last % NBUF)
    fire_o(last, last % SLOTS)
    for s in range(SLOTS):
      wait_o(s)

  return pl.kernel(
      body,
      out_type=jax.ShapeDtypeStruct((n_chunks_total * chunk, d),
                                    jnp.float32),
      mesh=mesh,
      scratch_types=[
          pltpu.VMEM((n_chunks_w * chunk // 128, 128), jnp.int32),
          pltpu.VMEM((NBUF, chunk, d), jnp.float32),
          pltpu.VMEM_SHARED((NS, SLOTS, chunk, d), jnp.float32),
      ] + [pltpu.SemaphoreType.DMA] * (2 * NBUF + SLOTS),
  )


def kernel(inputs, table):
  batch, hist = inputs.shape
  _, d = table.shape
  total = batch * hist
  grain = NW * CHUNK
  padded = (total + grain - 1) // grain * grain
  idx = inputs.reshape(total).astype(jnp.int32)
  if padded != total:
    idx = jnp.concatenate([idx, jnp.zeros(padded - total, jnp.int32)])
  idx = idx.reshape(padded // 128, 128)
  out = _build_gather(padded // CHUNK, CHUNK, d)(idx, table)
  return out[:total].reshape(batch, hist, d)

# --- scband reference (transcript-rebuilt; emitter-appended) ---
"""Pipeline reference for scband-embed-layer-86517821212165 (READ-ONLY COPY).

The authoritative reference and input builder live on the scoring server;
editing this copy changes nothing except your own understanding.
"""

import jax, jax.numpy as jnp
import numpy as np

VOCAB = 100000
EMB_DIM = 128
BATCH = 4096
HIST = 200

def setup_inputs(seed: int = 0) -> dict:
    key = jax.random.key(seed)
    k1, k2 = jax.random.split(key)
    inputs = jax.random.randint(k1, (BATCH, HIST), 0, VOCAB, dtype=jnp.int64 if jax.config.jax_enable_x64 else jnp.int32)
    scale = np.sqrt(3.0 / EMB_DIM)
    table = jax.random.uniform(k2, (VOCAB, EMB_DIM), dtype=jnp.float32, minval=-scale, maxval=scale)
    return {"inputs": inputs, "table": table}

def reference(inputs, table):
    # Embedding lookup: x = encoder(inputs)
    x = jnp.take(table, inputs, axis=0)
    # Dropout: module constructed with training=False, so nn.Dropout is identity (eval mode)
    return x

if __name__ == "__main__":
    import jax
    _d = setup_inputs()
    print(jax.jit(kernel)(*tuple(_d.values())))

</pallas_src>

<mosaic_0001>
#map = affine_map<(d0, d1) -> (0, 0)>
module attributes {stable_mosaic.version = 14 : i64} {
  func.func @body(%arg0: i32, %arg1: i32, %arg2: memref<6400x128xi32, #tpu.memory_space<hbm>>, %arg3: memref<100000x128xf32, #tpu.memory_space<hbm>>, %arg4: memref<819200x128xf32, #tpu.memory_space<hbm>>, %arg5: memref<200x128xi32, #tpu.memory_space<vmem>>, %arg6: memref<8x64x128xf32, #tpu.memory_space<vmem>>, %arg7: memref<16x4x64x128xf32, #tpu.memory_space<vmem_shared>>, %arg8: memref<!tpu.dma_semaphore, #tpu.memory_space<semaphore_mem>>, %arg9: memref<!tpu.dma_semaphore, #tpu.memory_space<semaphore_mem>>, %arg10: memref<!tpu.dma_semaphore, #tpu.memory_space<semaphore_mem>>, %arg11: memref<!tpu.dma_semaphore, #tpu.memory_space<semaphore_mem>>, %arg12: memref<!tpu.dma_semaphore, #tpu.memory_space<semaphore_mem>>, %arg13: memref<!tpu.dma_semaphore, #tpu.memory_space<semaphore_mem>>, %arg14: memref<!tpu.dma_semaphore, #tpu.memory_space<semaphore_mem>>, %arg15: memref<!tpu.dma_semaphore, #tpu.memory_space<semaphore_mem>>, %arg16: memref<!tpu.dma_semaphore, #tpu.memory_space<semaphore_mem>>, %arg17: memref<!tpu.dma_semaphore, #tpu.memory_space<semaphore_mem>>, %arg18: memref<!tpu.dma_semaphore, #tpu.memory_space<semaphore_mem>>, %arg19: memref<!tpu.dma_semaphore, #tpu.memory_space<semaphore_mem>>, %arg20: memref<!tpu.dma_semaphore, #tpu.memory_space<semaphore_mem>>, %arg21: memref<!tpu.dma_semaphore, #tpu.memory_space<semaphore_mem>>, %arg22: memref<!tpu.dma_semaphore, #tpu.memory_space<semaphore_mem>>, %arg23: memref<!tpu.dma_semaphore, #tpu.memory_space<semaphore_mem>>, %arg24: memref<!tpu.dma_semaphore, #tpu.memory_space<semaphore_mem>>, %arg25: memref<!tpu.dma_semaphore, #tpu.memory_space<semaphore_mem>>, %arg26: memref<!tpu.dma_semaphore, #tpu.memory_space<semaphore_mem>>, %arg27: memref<!tpu.dma_semaphore, #tpu.memory_space<semaphore_mem>>) attributes {dimension_semantics = [#tpu.dimension_semantics<core_parallel>, #tpu.dimension_semantics<subcore_parallel>], iteration_bounds = array<i64: 2, 16>, scalar_prefetch = 0 : i64, scratch_operands = 23 : i64, tpu.core_type = #tpu.core_type<sc_vector_subcore>, window_params = [{transform_indices = #map}, {transform_indices = #map}, {transform_indices = #map}]} {
    %mul3A = arith.constant 2 : i32
    %mul3A_0 = arith.muli %arg1, %mul3A : i32
    %add3A = arith.addi %mul3A_0, %arg0 : i32
    %mul3A_1 = arith.constant 400 : i32
    %mul3A_2 = arith.muli %add3A, %mul3A_1 : i32
    %mul3A_3 = arith.constant 200 : i32
    %mul3A_4 = arith.muli %add3A, %mul3A_3 : i32
    "tpu.region"() ({
      %run_scoped3A = tpu.sem_alloc : memref<!tpu.dma_semaphore, #tpu.memory_space<semaphore_mem>>
      %dma_start3A_158 = arith.constant 0 : i32
      %dma_start3A_159 = tpu.memref_slice %arg2[%mul3A_4, %dma_start3A_158] : memref<6400x128xi32, #tpu.memory_space<hbm>> -> memref<200x128xi32, #tpu.memory_space<hbm>>
      %dma_start3A_160 = arith.constant 0 : i32
      %dma_start3A_161 = tpu.memref_slice %arg2[%mul3A_4, %dma_start3A_160] : memref<6400x128xi32, #tpu.memory_space<hbm>> -> memref<200x128xi32, #tpu.memory_space<hbm>>
      tpu.enqueue_dma source(%dma_start3A_161 : memref<200x128xi32, #tpu.memory_space<hbm>>) target(%arg5 : memref<200x128xi32, #tpu.memory_space<vmem>>) target_semaphore(%run_scoped3A : memref<!tpu.dma_semaphore, #tpu.memory_space<semaphore_mem>>)
      %dma_wait3A_162 = arith.constant 0 : i32
      %dma_wait3A_163 = tpu.memref_slice %arg2[%mul3A_4, %dma_wait3A_162] : memref<6400x128xi32, #tpu.memory_space<hbm>> -> memref<200x128xi32, #tpu.memory_space<hbm>>
      %dma_wait3A_164 = arith.constant 0 : i32
      %dma_wait3A_165 = tpu.memref_slice %arg2[%mul3A_4, %dma_wait3A_164] : memref<6400x128xi32, #tpu.memory_space<hbm>> -> memref<200x128xi32, #tpu.memory_space<hbm>>
      tpu.wait_dma2 semaphore(%run_scoped3A : memref<!tpu.dma_semaphore, #tpu.memory_space<semaphore_mem>>) src(%dma_wait3A_165 : memref<200x128xi32, #tpu.memory_space<hbm>>) dst(%arg5 : memref<200x128xi32, #tpu.memory_space<vmem>>)
      tpu.yield
    }) : () -> ()
    %dma_start3A = arith.constant 0 : i32
    %dma_start3A_5 = arith.constant 0 : i32
    %dma_start3A_6 = arith.constant 0 : i32
    %dma_start3A_7 = arith.constant 0 : i32
    %dma_start3A_8 = tpu.memref_slice %arg6[%dma_start3A_5, %dma_start3A_6, %dma_start3A_7] : memref<8x64x128xf32, #tpu.memory_space<vmem>> -> memref<1x64x128xf32, #tpu.memory_space<vmem>>
    %dma_start3A_9 = tpu.memref_squeeze %dma_start3A_8 : memref<1x64x128xf32, #tpu.memory_space<vmem>> -> memref<64x128xf32, #tpu.memory_space<vmem>>
    %dma_start3A_10 = arith.constant 0 : i32
    %dma_start3A_11 = tpu.memref_slice %arg5[%dma_start3A, %dma_start3A_10] : memref<200x128xi32, #tpu.memory_space<vmem>> -> memref<1x64xi32, #tpu.memory_space<vmem>>
    %dma_start3A_12 = tpu.memref_squeeze %dma_start3A_11 : memref<1x64xi32, #tpu.memory_space<vmem>> -> memref<64xi32, #tpu.memory_space<vmem>>
    %dma_start3A_13 = arith.constant 0 : i32
    %dma_start3A_14 = arith.constant 0 : i32
    %dma_start3A_15 = tpu.memref_slice %arg3[%dma_start3A_13, %dma_start3A_14] : memref<100000x128xf32, #tpu.memory_space<hbm>> -> memref<100000x128xf32, #tpu.memory_space<hbm>>
    tpu.enqueue_indirect_dma source(%dma_start3A_15 : memref<100000x128xf32, #tpu.memory_space<hbm>>) target(%dma_start3A_9 : memref<64x128xf32, #tpu.memory_space<vmem>>) offsets(%dma_start3A_12 : memref<64xi32, #tpu.memory_space<vmem>>) semaphore(%arg8 : memref<!tpu.dma_semaphore, #tpu.memory_space<semaphore_mem>>)
    %dma_start3A_16 = arith.constant 0 : i32
    %dma_start3A_17 = arith.constant 1 : i32
    %dma_start3A_18 = arith.constant 0 : i32
    %dma_start3A_19 = arith.constant 0 : i32
    %dma_start3A_20 = tpu.memref_slice %arg6[%dma_start3A_17, %dma_start3A_18, %dma_start3A_19] : memref<8x64x128xf32, #tpu.memory_space<vmem>> -> memref<1x64x128xf32, #tpu.memory_space<vmem>>
    %dma_start3A_21 = tpu.memref_squeeze %dma_start3A_20 : memref<1x64x128xf32, #tpu.memory_space<vmem>> -> memref<64x128xf32, #tpu.memory_space<vmem>>
    %dma_start3A_22 = arith.constant 64 : i32
    %dma_start3A_23 = tpu.memref_slice %arg5[%dma_start3A_16, %dma_start3A_22] : memref<200x128xi32, #tpu.memory_space<vmem>> -> memref<1x64xi32, #tpu.memory_space<vmem>>
    %dma_start3A_24 = tpu.memref_squeeze %dma_start3A_23 : memref<1x64xi32, #tpu.memory_space<vmem>> -> memref<64xi32, #tpu.memory_space<vmem>>
    %dma_start3A_25 = arith.constant 0 : i32
    %dma_start3A_26 = arith.constant 0 : i32
    %dma_start3A_27 = tpu.memref_slice %arg3[%dma_start3A_25, %dma_start3A_26] : memref<100000x128xf32, #tpu.memory_space<hbm>> -> memref<100000x128xf32, #tpu.memory_space<hbm>>
    tpu.enqueue_indirect_dma source(%dma_start3A_27 : memref<100000x128xf32, #tpu.memory_space<hbm>>) target(%dma_start3A_21 : memref<64x128xf32, #tpu.memory_space<vmem>>) offsets(%dma_start3A_24 : memref<64xi32, #tpu.memory_space<vmem>>) semaphore(%arg9 : memref<!tpu.dma_semaphore, #tpu.memory_space<semaphore_mem>>)
    %dma_start3A_28 = arith.constant 1 : i32
    %dma_start3A_29 = arith.constant 2 : i32
    %dma_start3A_30 = arith.constant 0 : i32
    %dma_start3A_31 = arith.constant 0 : i32
    %dma_start3A_32 = tpu.memref_slice %arg6[%dma_start3A_29, %dma_start3A_30, %dma_start3A_31] : memref<8x64x128xf32, #tpu.memory_space<vmem>> -> memref<1x64x128xf32, #tpu.memory_space<vmem>>
    %dma_start3A_33 = tpu.memref_squeeze %dma_start3A_32 : memref<1x64x128xf32, #tpu.memory_space<vmem>> -> memref<64x128xf32, #tpu.memory_space<vmem>>
    %dma_start3A_34 = arith.constant 0 : i32
    %dma_start3A_35 = tpu.memref_slice %arg5[%dma_start3A_28, %dma_start3A_34] : memref<200x128xi32, #tpu.memory_space<vmem>> -> memref<1x64xi32, #tpu.memory_space<vmem>>
    %dma_start3A_36 = tpu.memref_squeeze %dma_start3A_35 : memref<1x64xi32, #tpu.memory_space<vmem>> -> memref<64xi32, #tpu.memory_space<vmem>>
    %dma_start3A_37 = arith.constant 0 : i32
    %dma_start3A_38 = arith.constant 0 : i32
    %dma_start3A_39 = tpu.memref_slice %arg3[%dma_start3A_37, %dma_start3A_38] : memref<100000x128xf32, #tpu.memory_space<hbm>> -> memref<100000x128xf32, #tpu.memory_space<hbm>>
    tpu.enqueue_indirect_dma source(%dma_start3A_39 : memref<100000x128xf32, #tpu.memory_space<hbm>>) target(%dma_start3A_33 : memref<64x128xf32, #tpu.memory_space<vmem>>) offsets(%dma_start3A_36 : memref<64xi32, #tpu.memory_space<vmem>>) semaphore(%arg10 : memref<!tpu.dma_semaphore, #tpu.memory_space<semaphore_mem>>)
    %dma_start3A_40 = arith.constant 1 : i32
    %dma_start3A_41 = arith.constant 3 : i32
    %dma_start3A_42 = arith.constant 0 : i32
    %dma_start3A_43 = arith.constant 0 : i32
    %dma_start3A_44 = tpu.memref_slice %arg6[%dma_start3A_41, %dma_start3A_42, %dma_start3A_43] : memref<8x64x128xf32, #tpu.memory_space<vmem>> -> memref<1x64x128xf32, #tpu.memory_space<vmem>>
    %dma_start3A_45 = tpu.memref_squeeze %dma_start3A_44 : memref<1x64x128xf32, #tpu.memory_space<vmem>> -> memref<64x128xf32, #tpu.memory_space<vmem>>
    %dma_start3A_46 = arith.constant 64 : i32
    %dma_start3A_47 = tpu.memref_slice %arg5[%dma_start3A_40, %dma_start3A_46] : memref<200x128xi32, #tpu.memory_space<vmem>> -> memref<1x64xi32, #tpu.memory_space<vmem>>
    %dma_start3A_48 = tpu.memref_squeeze %dma_start3A_47 : memref<1x64xi32, #tpu.memory_space<vmem>> -> memref<64xi32, #tpu.memory_space<vmem>>
    %dma_start3A_49 = arith.constant 0 : i32
    %dma_start3A_50 = arith.constant 0 : i32
    %dma_start3A_51 = tpu.memref_slice %arg3[%dma_start3A_49, %dma_start3A_50] : memref<100000x128xf32, #tpu.memory_space<hbm>> -> memref<100000x128xf32, #tpu.memory_space<hbm>>
    tpu.enqueue_indirect_dma source(%dma_start3A_51 : memref<100000x128xf32, #tpu.memory_space<hbm>>) target(%dma_start3A_45 : memref<64x128xf32, #tpu.memory_space<vmem>>) offsets(%dma_start3A_48 : memref<64xi32, #tpu.memory_space<vmem>>) semaphore(%arg11 : memref<!tpu.dma_semaphore, #tpu.memory_space<semaphore_mem>>)
    %dma_start3A_52 = arith.constant 2 : i32
    %dma_start3A_53 = arith.constant 4 : i32
    %dma_start3A_54 = arith.constant 0 : i32
    %dma_start3A_55 = arith.constant 0 : i32
    %dma_start3A_56 = tpu.memref_slice %arg6[%dma_start3A_53, %dma_start3A_54, %dma_start3A_55] : memref<8x64x128xf32, #tpu.memory_space<vmem>> -> memref<1x64x128xf32, #tpu.memory_space<vmem>>
    %dma_start3A_57 = tpu.memref_squeeze %dma_start3A_56 : memref<1x64x128xf32, #tpu.memory_space<vmem>> -> memref<64x128xf32, #tpu.memory_space<vmem>>
    %dma_start3A_58 = arith.constant 0 : i32
    %dma_start3A_59 = tpu.memref_slice %arg5[%dma_start3A_52, %dma_start3A_58] : memref<200x128xi32, #tpu.memory_space<vmem>> -> memref<1x64xi32, #tpu.memory_space<vmem>>
    %dma_start3A_60 = tpu.memref_squeeze %dma_start3A_59 : memref<1x64xi32, #tpu.memory_space<vmem>> -> memref<64xi32, #tpu.memory_space<vmem>>
    %dma_start3A_61 = arith.constant 0 : i32
    %dma_start3A_62 = arith.constant 0 : i32
    %dma_start3A_63 = tpu.memref_slice %arg3[%dma_start3A_61, %dma_start3A_62] : memref<100000x128xf32, #tpu.memory_space<hbm>> -> memref<100000x128xf32, #tpu.memory_space<hbm>>
    tpu.enqueue_indirect_dma source(%dma_start3A_63 : memref<100000x128xf32, #tpu.memory_space<hbm>>) target(%dma_start3A_57 : memref<64x128xf32, #tpu.memory_space<vmem>>) offsets(%dma_start3A_60 : memref<64xi32, #tpu.memory_space<vmem>>) semaphore(%arg12 : memref<!tpu.dma_semaphore, #tpu.memory_space<semaphore_mem>>)
    %dma_start3A_64 = arith.constant 2 : i32
    %dma_start3A_65 = arith.constant 5 : i32
    %dma_start3A_66 = arith.constant 0 : i32
    %dma_start3A_67 = arith.constant 0 : i32
    %dma_start3A_68 = tpu.memref_slice %arg6[%dma_start3A_65, %dma_start3A_66, %dma_start3A_67] : memref<8x64x128xf32, #tpu.memory_space<vmem>> -> memref<1x64x128xf32, #tpu.memory_space<vmem>>
    %dma_start3A_69 = tpu.memref_squeeze %dma_start3A_68 : memref<1x64x128xf32, #tpu.memory_space<vmem>> -> memref<64x128xf32, #tpu.memory_space<vmem>>
    %dma_start3A_70 = arith.constant 64 : i32
    %dma_start3A_71 = tpu.memref_slice %arg5[%dma_start3A_64, %dma_start3A_70] : memref<200x128xi32, #tpu.memory_space<vmem>> -> memref<1x64xi32, #tpu.memory_space<vmem>>
    %dma_start3A_72 = tpu.memref_squeeze %dma_start3A_71 : memref<1x64xi32, #tpu.memory_space<vmem>> -> memref<64xi32, #tpu.memory_space<vmem>>
    %dma_start3A_73 = arith.constant 0 : i32
    %dma_start3A_74 = arith.constant 0 : i32
    %dma_start3A_75 = tpu.memref_slice %arg3[%dma_start3A_73, %dma_start3A_74] : memref<100000x128xf32, #tpu.memory_space<hbm>> -> memref<100000x128xf32, #tpu.memory_space<hbm>>
    tpu.enqueue_indirect_dma source(%dma_start3A_75 : memref<100000x128xf32, #tpu.memory_space<hbm>>) target(%dma_start3A_69 : memref<64x128xf32, #tpu.memory_space<vmem>>) offsets(%dma_start3A_72 : memref<64xi32, #tpu.memory_space<vmem>>) semaphore(%arg13 : memref<!tpu.dma_semaphore, #tpu.memory_space<semaphore_mem>>)
    %dma_start3A_76 = arith.constant 3 : i32
    %dma_start3A_77 = arith.constant 6 : i32
    %dma_start3A_78 = arith.constant 0 : i32
    %dma_start3A_79 = arith.constant 0 : i32
    %dma_start3A_80 = tpu.memref_slice %arg6[%dma_start3A_77, %dma_start3A_78, %dma_start3A_79] : memref<8x64x128xf32, #tpu.memory_space<vmem>> -> memref<1x64x128xf32, #tpu.memory_space<vmem>>
    %dma_start3A_81 = tpu.memref_squeeze %dma_start3A_80 : memref<1x64x128xf32, #tpu.memory_space<vmem>> -> memref<64x128xf32, #tpu.memory_space<vmem>>
    %dma_start3A_82 = arith.constant 0 : i32
    %dma_start3A_83 = tpu.memref_slice %arg5[%dma_start3A_76, %dma_start3A_82] : memref<200x128xi32, #tpu.memory_space<vmem>> -> memref<1x64xi32, #tpu.memory_space<vmem>>
    %dma_start3A_84 = tpu.memref_squeeze %dma_start3A_83 : memref<1x64xi32, #tpu.memory_space<vmem>> -> memref<64xi32, #tpu.memory_space<vmem>>
    %dma_start3A_85 = arith.constant 0 : i32
    %dma_start3A_86 = arith.constant 0 : i32
    %dma_start3A_87 = tpu.memref_slice %arg3[%dma_start3A_85, %dma_start3A_86] : memref<100000x128xf32, #tpu.memory_space<hbm>> -> memref<100000x128xf32, #tpu.memory_space<hbm>>
    tpu.enqueue_indirect_dma source(%dma_start3A_87 : memref<100000x128xf32, #tpu.memory_space<hbm>>) target(%dma_start3A_81 : memref<64x128xf32, #tpu.memory_space<vmem>>) offsets(%dma_start3A_84 : memref<64xi32, #tpu.memory_space<vmem>>) semaphore(%arg14 : memref<!tpu.dma_semaphore, #tpu.memory_space<semaphore_mem>>)
    %scan3A = arith.constant 0 : i32
    %scan3A_88 = arith.constant 0 : i32
    %scan3A_89 = arith.constant 50 : i32
    %scan3A_90 = arith.addi %scan3A_88, %scan3A_89 : i32
    %scan3A_91 = arith.constant 1 : i32
    %scan3A_92 = scf.for %scan3A_158 = %scan3A_88 to %scan3A_90 step %scan3A_91 iter_args(%scan3A_159 = %scan3A) -> (i32)  : i32 {
      %mul3A_160 = arith.constant 8 : i32
      %mul3A_161 = arith.muli %scan3A_158, %mul3A_160 : i32
      %add3A_162 = arith.constant 0 : i32
      %add3A_163 = arith.addi %mul3A_161, %add3A_162 : i32
      %dma_wait3A_164 = arith.constant 0 : i32
      %dma_wait3A_165 = arith.constant 0 : i32
      %dma_wait3A_166 = arith.constant 0 : i32
      %dma_wait3A_167 = arith.constant 0 : i32
      %dma_wait3A_168 = tpu.memref_slice %arg6[%dma_wait3A_165, %dma_wait3A_166, %dma_wait3A_167] : memref<8x64x128xf32, #tpu.memory_space<vmem>> -> memref<1x64x128xf32, #tpu.memory_space<vmem>>
      %dma_wait3A_169 = tpu.memref_squeeze %dma_wait3A_168 : memref<1x64x128xf32, #tpu.memory_space<vmem>> -> memref<64x128xf32, #tpu.memory_space<vmem>>
      %dma_wait3A_170 = arith.constant 0 : i32
      %dma_wait3A_171 = tpu.memref_slice %arg5[%dma_wait3A_164, %dma_wait3A_170] : memref<200x128xi32, #tpu.memory_space<vmem>> -> memref<1x64xi32, #tpu.memory_space<vmem>>
      %dma_wait3A_172 = tpu.memref_squeeze %dma_wait3A_171 : memref<1x64xi32, #tpu.memory_space<vmem>> -> memref<64xi32, #tpu.memory_space<vmem>>
      %dma_wait3A_173 = arith.constant 0 : i32
      %dma_wait3A_174 = arith.constant 0 : i32
      %dma_wait3A_175 = tpu.memref_slice %arg3[%dma_wait3A_173, %dma_wait3A_174] : memref<100000x128xf32, #tpu.memory_space<hbm>> -> memref<100000x128xf32, #tpu.memory_space<hbm>>
      tpu.wait_indirect_dma semaphore(%arg8 : memref<!tpu.dma_semaphore, #tpu.memory_space<semaphore_mem>>) src(%dma_wait3A_175 : memref<100000x128xf32, #tpu.memory_space<hbm>>) dst(%dma_wait3A_169 : memref<64x128xf32, #tpu.memory_space<vmem>>)
      %ge3A = arith.constant 4 : i32
      %ge3A_176 = arith.cmpi sge, %add3A_163, %ge3A : i32
      %convert_element_type3A = arith.extui %ge3A_176 : i1 to i32
      %cond3A = arith.constant 0 : i32
      %cond3A_177 = arith.cmpi ne, %convert_element_type3A, %cond3A : i32
      scf.if %cond3A_177 {
        %mul3A_565 = arith.constant 64 : i32
        %mul3A_566 = arith.muli %mul3A_2, %mul3A_565 : i32
        %dma_wait3A_567 = arith.constant 0 : i32
        %dma_wait3A_568 = arith.constant 0 : i32
        %dma_wait3A_569 = tpu.memref_slice %arg4[%mul3A_566, %dma_wait3A_568] : memref<819200x128xf32, #tpu.memory_space<hbm>> -> memref<64x128xf32, #tpu.memory_space<hbm>>
        %dma_wait3A_570 = arith.constant 0 : i32
        %dma_wait3A_571 = arith.constant 0 : i32
        %dma_wait3A_572 = tpu.memref_slice %arg7[%arg1, %dma_wait3A_567, %dma_wait3A_570, %dma_wait3A_571] : memref<16x4x64x128xf32, #tpu.memory_space<vmem_shared>> -> memref<1x1x64x128xf32, #tpu.memory_space<vmem_shared>>
        %dma_wait3A_573 = tpu.memref_squeeze %dma_wait3A_572 : memref<1x1x64x128xf32, #tpu.memory_space<vmem_shared>> -> memref<64x128xf32, #tpu.memory_space<vmem_shared>>
        tpu.wait_dma2 semaphore(%arg24 : memref<!tpu.dma_semaphore, #tpu.memory_space<semaphore_mem>>) src(%dma_wait3A_573 : memref<64x128xf32, #tpu.memory_space<vmem_shared>>) dst(%dma_wait3A_569 : memref<64x128xf32, #tpu.memory_space<hbm>>)
      } else {
      }
      %dma_start3A_178 = arith.constant 0 : i32
      %dma_start3A_179 = arith.constant 0 : i32
      %dma_start3A_180 = arith.constant 0 : i32
      %dma_start3A_181 = arith.constant 0 : i32
      %dma_start3A_182 = tpu.memref_slice %arg6[%dma_start3A_178, %dma_start3A_180, %dma_start3A_181] : memref<8x64x128xf32, #tpu.memory_space<vmem>> -> memref<1x64x128xf32, #tpu.memory_space<vmem>>
      %dma_start3A_183 = tpu.memref_squeeze %dma_start3A_182 : memref<1x64x128xf32, #tpu.memory_space<vmem>> -> memref<64x128xf32, #tpu.memory_space<vmem>>
      %dma_start3A_184 = arith.constant 0 : i32
      %dma_start3A_185 = arith.constant 0 : i32
      %dma_start3A_186 = tpu.memref_slice %arg7[%arg1, %dma_start3A_179, %dma_start3A_184, %dma_start3A_185] : memref<16x4x64x128xf32, #tpu.memory_space<vmem_shared>> -> memref<1x1x64x128xf32, #tpu.memory_space<vmem_shared>>
      %dma_start3A_187 = tpu.memref_squeeze %dma_start3A_186 : memref<1x1x64x128xf32, #tpu.memory_space<vmem_shared>> -> memref<64x128xf32, #tpu.memory_space<vmem_shared>>
      %dma_start3A_188 = arith.constant 0 : i32
      %dma_start3A_189 = arith.constant 0 : i32
      %dma_start3A_190 = tpu.memref_slice %arg7[%arg1, %dma_start3A_179, %dma_start3A_188, %dma_start3A_189] : memref<16x4x64x128xf32, #tpu.memory_space<vmem_shared>> -> memref<1x1x64x128xf32, #tpu.memory_space<vmem_shared>>
      %dma_start3A_191 = tpu.memref_squeeze %dma_start3A_190 : memref<1x1x64x128xf32, #tpu.memory_space<vmem_shared>> -> memref<64x128xf32, #tpu.memory_space<vmem_shared>>
      %dma_start3A_192 = arith.constant 0 : i32
      %dma_start3A_193 = arith.constant 0 : i32
      %dma_start3A_194 = tpu.memref_slice %arg6[%dma_start3A_178, %dma_start3A_192, %dma_start3A_193] : memref<8x64x128xf32, #tpu.memory_space<vmem>> -> memref<1x64x128xf32, #tpu.memory_space<vmem>>
      %dma_start3A_195 = tpu.memref_squeeze %dma_start3A_194 : memref<1x64x128xf32, #tpu.memory_space<vmem>> -> memref<64x128xf32, #tpu.memory_space<vmem>>
      tpu.enqueue_dma source(%dma_start3A_195 : memref<64x128xf32, #tpu.memory_space<vmem>>) target(%dma_start3A_191 : memref<64x128xf32, #tpu.memory_space<vmem_shared>>) target_semaphore(%arg16 : memref<!tpu.dma_semaphore, #tpu.memory_space<semaphore_mem>>)
      %ge3A_196 = arith.constant 1 : i32
      %ge3A_197 = arith.cmpi sge, %add3A_163, %ge3A_196 : i32
      %convert_element_type3A_198 = arith.extui %ge3A_197 : i1 to i32
      %cond3A_199 = arith.constant 0 : i32
      %cond3A_200 = arith.cmpi ne, %convert_element_type3A_198, %cond3A_199 : i32
      scf.if %cond3A_200 {
        %dma_wait3A_565 = arith.constant 7 : i32
        %dma_wait3A_566 = arith.constant 3 : i32
        %dma_wait3A_567 = arith.constant 0 : i32
        %dma_wait3A_568 = arith.constant 0 : i32
        %dma_wait3A_569 = tpu.memref_slice %arg6[%dma_wait3A_565, %dma_wait3A_567, %dma_wait3A_568] : memref<8x64x128xf32, #tpu.memory_space<vmem>> -> memref<1x64x128xf32, #tpu.memory_space<vmem>>
        %dma_wait3A_570 = tpu.memref_squeeze %dma_wait3A_569 : memref<1x64x128xf32, #tpu.memory_space<vmem>> -> memref<64x128xf32, #tpu.memory_space<vmem>>
        %dma_wait3A_571 = arith.constant 0 : i32
        %dma_wait3A_572 = arith.constant 0 : i32
        %dma_wait3A_573 = tpu.memref_slice %arg7[%arg1, %dma_wait3A_566, %dma_wait3A_571, %dma_wait3A_572] : memref<16x4x64x128xf32, #tpu.memory_space<vmem_shared>> -> memref<1x1x64x128xf32, #tpu.memory_space<vmem_shared>>
        %dma_wait3A_574 = tpu.memref_squeeze %dma_wait3A_573 : memref<1x1x64x128xf32, #tpu.memory_space<vmem_shared>> -> memref<64x128xf32, #tpu.memory_space<vmem_shared>>
        %dma_wait3A_575 = arith.constant 0 : i32
        %dma_wait3A_576 = arith.constant 0 : i32
        %dma_wait3A_577 = tpu.memref_slice %arg7[%arg1, %dma_wait3A_566, %dma_wait3A_575, %dma_wait3A_576] : memref<16x4x64x128xf32, #tpu.memory_space<vmem_shared>> -> memref<1x1x64x128xf32, #tpu.memory_space<vmem_shared>>
        %dma_wait3A_578 = tpu.memref_squeeze %dma_wait3A_577 : memref<1x1x64x128xf32, #tpu.memory_space<vmem_shared>> -> memref<64x128xf32, #tpu.memory_space<vmem_shared>>
        %dma_wait3A_579 = arith.constant 0 : i32
        %dma_wait3A_580 = arith.constant 0 : i32
        %dma_wait3A_581 = tpu.memref_slice %arg6[%dma_wait3A_565, %dma_wait3A_579, %dma_wait3A_580] : memref<8x64x128xf32, #tpu.memory_space<vmem>> -> memref<1x64x128xf32, #tpu.memory_space<vmem>>
        %dma_wait3A_582 = tpu.memref_squeeze %dma_wait3A_581 : memref<1x64x128xf32, #tpu.memory_space<vmem>> -> memref<64x128xf32, #tpu.memory_space<vmem>>
        tpu.wait_dma2 semaphore(%arg23 : memref<!tpu.dma_semaphore, #tpu.memory_space<semaphore_mem>>) src(%dma_wait3A_582 : memref<64x128xf32, #tpu.memory_space<vmem>>) dst(%dma_wait3A_578 : memref<64x128xf32, #tpu.memory_space<vmem_shared>>)
        %sub3A = arith.constant 1 : i32
        %sub3A_583 = arith.subi %add3A_163, %sub3A : i32
        %add3A_584 = arith.addi %mul3A_2, %sub3A_583 : i32
        %mul3A_585 = arith.constant 64 : i32
        %mul3A_586 = arith.muli %add3A_584, %mul3A_585 : i32
        %dma_start3A_587 = arith.constant 3 : i32
        %dma_start3A_588 = arith.constant 0 : i32
        %dma_start3A_589 = tpu.memref_slice %arg4[%mul3A_586, %dma_start3A_588] : memref<819200x128xf32, #tpu.memory_space<hbm>> -> memref<64x128xf32, #tpu.memory_space<hbm>>
        %dma_start3A_590 = arith.constant 0 : i32
        %dma_start3A_591 = arith.constant 0 : i32
        %dma_start3A_592 = tpu.memref_slice %arg7[%arg1, %dma_start3A_587, %dma_start3A_590, %dma_start3A_591] : memref<16x4x64x128xf32, #tpu.memory_space<vmem_shared>> -> memref<1x1x64x128xf32, #tpu.memory_space<vmem_shared>>
        %dma_start3A_593 = tpu.memref_squeeze %dma_start3A_592 : memref<1x1x64x128xf32, #tpu.memory_space<vmem_shared>> -> memref<64x128xf32, #tpu.memory_space<vmem_shared>>
        tpu.enqueue_dma source(%dma_start3A_593 : memref<64x128xf32, #tpu.memory_space<vmem_shared>>) target(%dma_start3A_589 : memref<64x128xf32, #tpu.memory_space<hbm>>) target_semaphore(%arg27 : memref<!tpu.dma_semaphore, #tpu.memory_space<semaphore_mem>>)
      } else {
      }
      %add3A_201 = arith.constant 7 : i32
      %add3A_202 = arith.addi %add3A_163, %add3A_201 : i32
      %lt3A = arith.constant 400 : i32
      %lt3A_203 = arith.cmpi slt, %add3A_202, %lt3A : i32
      %convert_element_type3A_204 = arith.extui %lt3A_203 : i1 to i32
      %cond3A_205 = arith.constant 0 : i32
      %cond3A_206 = arith.cmpi ne, %convert_element_type3A_204, %cond3A_205 : i32
      scf.if %cond3A_206 {
        %add3A_565 = arith.constant 7 : i32
        %add3A_566 = arith.addi %add3A_163, %add3A_565 : i32
        %jit3A = arith.constant 2 : i32
        %div3A = arith.divsi %add3A_566, %jit3A : i32
        %sign3A = arith.constant 0 : i32
        %sign3A_567 = arith.cmpi sgt, %add3A_566, %sign3A : i32
        %sign3A_568 = arith.extui %sign3A_567 : i1 to i32
        %sign3A_569 = arith.constant 0 : i32
        %sign3A_570 = arith.cmpi slt, %add3A_566, %sign3A_569 : i32
        %sign3A_571 = arith.extui %sign3A_570 : i1 to i32
        %sign3A_572 = arith.subi %sign3A_568, %sign3A_571 : i32
        %sign3A_573 = arith.constant 0 : i32
        %sign3A_574 = arith.cmpi sgt, %jit3A, %sign3A_573 : i32
        %sign3A_575 = arith.extui %sign3A_574 : i1 to i32
        %sign3A_576 = arith.constant 0 : i32
        %sign3A_577 = arith.cmpi slt, %jit3A, %sign3A_576 : i32
        %sign3A_578 = arith.extui %sign3A_577 : i1 to i32
        %sign3A_579 = arith.subi %sign3A_575, %sign3A_578 : i32
        %ne3A = arith.cmpi ne, %sign3A_572, %sign3A_579 : i32
        %rem3A = arith.remsi %add3A_566, %jit3A : i32
        %ne3A_580 = arith.constant 0 : i32
        %ne3A_581 = arith.cmpi ne, %rem3A, %ne3A_580 : i32
        %and3A = arith.andi %ne3A, %ne3A_581 : i1
        %sub3A = arith.constant 1 : i32
        %sub3A_582 = arith.subi %div3A, %sub3A : i32
        %select_n3A = arith.select %and3A, %sub3A_582, %div3A : i32
        %dma_start3A_583 = arith.constant 7 : i32
        %dma_start3A_584 = arith.constant 0 : i32
        %dma_start3A_585 = arith.constant 0 : i32
        %dma_start3A_586 = tpu.memref_slice %arg6[%dma_start3A_583, %dma_start3A_584, %dma_start3A_585] : memref<8x64x128xf32, #tpu.memory_space<vmem>> -> memref<1x64x128xf32, #tpu.memory_space<vmem>>
        %dma_start3A_587 = tpu.memref_squeeze %dma_start3A_586 : memref<1x64x128xf32, #tpu.memory_space<vmem>> -> memref<64x128xf32, #tpu.memory_space<vmem>>
        %dma_start3A_588 = arith.constant 64 : i32
        %dma_start3A_589 = tpu.memref_slice %arg5[%select_n3A, %dma_start3A_588] : memref<200x128xi32, #tpu.memory_space<vmem>> -> memref<1x64xi32, #tpu.memory_space<vmem>>
        %dma_start3A_590 = tpu.memref_squeeze %dma_start3A_589 : memref<1x64xi32, #tpu.memory_space<vmem>> -> memref<64xi32, #tpu.memory_space<vmem>>
        %dma_start3A_591 = arith.constant 0 : i32
        %dma_start3A_592 = arith.constant 0 : i32
        %dma_start3A_593 = tpu.memref_slice %arg3[%dma_start3A_591, %dma_start3A_592] : memref<100000x128xf32, #tpu.memory_space<hbm>> -> memref<100000x128xf32, #tpu.memory_space<hbm>>
        tpu.enqueue_indirect_dma source(%dma_start3A_593 : memref<100000x128xf32, #tpu.memory_space<hbm>>) target(%dma_start3A_587 : memref<64x128xf32, #tpu.memory_space<vmem>>) offsets(%dma_start3A_590 : memref<64xi32, #tpu.memory_space<vmem>>) semaphore(%arg15 : memref<!tpu.dma_semaphore, #tpu.memory_space<semaphore_mem>>)
      } else {
      }
      %mul3A_207 = arith.constant 8 : i32
      %mul3A_208 = arith.muli %scan3A_158, %mul3A_207 : i32
      %add3A_209 = arith.constant 1 : i32
      %add3A_210 = arith.addi %mul3A_208, %add3A_209 : i32
      %dma_wait3A_211 = arith.constant 0 : i32
      %dma_wait3A_212 = arith.constant 1 : i32
      %dma_wait3A_213 = arith.constant 0 : i32
      %dma_wait3A_214 = arith.constant 0 : i32
      %dma_wait3A_215 = tpu.memref_slice %arg6[%dma_wait3A_212, %dma_wait3A_213, %dma_wait3A_214] : memref<8x64x128xf32, #tpu.memory_space<vmem>> -> memref<1x64x128xf32, #tpu.memory_space<vmem>>
      %dma_wait3A_216 = tpu.memref_squeeze %dma_wait3A_215 : memref<1x64x128xf32, #tpu.memory_space<vmem>> -> memref<64x128xf32, #tpu.memory_space<vmem>>
      %dma_wait3A_217 = arith.constant 0 : i32
      %dma_wait3A_218 = tpu.memref_slice %arg5[%dma_wait3A_211, %dma_wait3A_217] : memref<200x128xi32, #tpu.memory_space<vmem>> -> memref<1x64xi32, #tpu.memory_space<vmem>>
      %dma_wait3A_219 = tpu.memref_squeeze %dma_wait3A_218 : memref<1x64xi32, #tpu.memory_space<vmem>> -> memref<64xi32, #tpu.memory_space<vmem>>
      %dma_wait3A_220 = arith.constant 0 : i32
      %dma_wait3A_221 = arith.constant 0 : i32
      %dma_wait3A_222 = tpu.memref_slice %arg3[%dma_wait3A_220, %dma_wait3A_221] : memref<100000x128xf32, #tpu.memory_space<hbm>> -> memref<100000x128xf32, #tpu.memory_space<hbm>>
      tpu.wait_indirect_dma semaphore(%arg9 : memref<!tpu.dma_semaphore, #tpu.memory_space<semaphore_mem>>) src(%dma_wait3A_222 : memref<100000x128xf32, #tpu.memory_space<hbm>>) dst(%dma_wait3A_216 : memref<64x128xf32, #tpu.memory_space<vmem>>)
      %ge3A_223 = arith.constant 4 : i32
      %ge3A_224 = arith.cmpi sge, %add3A_210, %ge3A_223 : i32
      %convert_element_type3A_225 = arith.extui %ge3A_224 : i1 to i32
      %cond3A_226 = arith.constant 0 : i32
      %cond3A_227 = arith.cmpi ne, %convert_element_type3A_225, %cond3A_226 : i32
      scf.if %cond3A_227 {
        %mul3A_565 = arith.constant 64 : i32
        %mul3A_566 = arith.muli %mul3A_2, %mul3A_565 : i32
        %dma_wait3A_567 = arith.constant 1 : i32
        %dma_wait3A_568 = arith.constant 0 : i32
        %dma_wait3A_569 = tpu.memref_slice %arg4[%mul3A_566, %dma_wait3A_568] : memref<819200x128xf32, #tpu.memory_space<hbm>> -> memref<64x128xf32, #tpu.memory_space<hbm>>
        %dma_wait3A_570 = arith.constant 0 : i32
        %dma_wait3A_571 = arith.constant 0 : i32
        %dma_wait3A_572 = tpu.memref_slice %arg7[%arg1, %dma_wait3A_567, %dma_wait3A_570, %dma_wait3A_571] : memref<16x4x64x128xf32, #tpu.memory_space<vmem_shared>> -> memref<1x1x64x128xf32, #tpu.memory_space<vmem_shared>>
        %dma_wait3A_573 = tpu.memref_squeeze %dma_wait3A_572 : memref<1x1x64x128xf32, #tpu.memory_space<vmem_shared>> -> memref<64x128xf32, #tpu.memory_space<vmem_shared>>
        tpu.wait_dma2 semaphore(%arg25 : memref<!tpu.dma_semaphore, #tpu.memory_space<semaphore_mem>>) src(%dma_wait3A_573 : memref<64x128xf32, #tpu.memory_space<vmem_shared>>) dst(%dma_wait3A_569 : memref<64x128xf32, #tpu.memory_space<hbm>>)
      } else {
      }
      %dma_start3A_228 = arith.constant 1 : i32
      %dma_start3A_229 = arith.constant 1 : i32
      %dma_start3A_230 = arith.constant 0 : i32
      %dma_start3A_231 = arith.constant 0 : i32
      %dma_start3A_232 = tpu.memref_slice %arg6[%dma_start3A_228, %dma_start3A_230, %dma_start3A_231] : memref<8x64x128xf32, #tpu.memory_space<vmem>> -> memref<1x64x128xf32, #tpu.memory_space<vmem>>
      %dma_start3A_233 = tpu.memref_squeeze %dma_start3A_232 : memref<1x64x128xf32, #tpu.memory_space<vmem>> -> memref<64x128xf32, #tpu.memory_space<vmem>>
      %dma_start3A_234 = arith.constant 0 : i32
      %dma_start3A_235 = arith.constant 0 : i32
      %dma_start3A_236 = tpu.memref_slice %arg7[%arg1, %dma_start3A_229, %dma_start3A_234, %dma_start3A_235] : memref<16x4x64x128xf32, #tpu.memory_space<vmem_shared>> -> memref<1x1x64x128xf32, #tpu.memory_space<vmem_shared>>
      %dma_start3A_237 = tpu.memref_squeeze %dma_start3A_236 : memref<1x1x64x128xf32, #tpu.memory_space<vmem_shared>> -> memref<64x128xf32, #tpu.memory_space<vmem_shared>>
      %dma_start3A_238 = arith.constant 0 : i32
      %dma_start3A_239 = arith.constant 0 : i32
      %dma_start3A_240 = tpu.memref_slice %arg7[%arg1, %dma_start3A_229, %dma_start3A_238, %dma_start3A_239] : memref<16x4x64x128xf32, #tpu.memory_space<vmem_shared>> -> memref<1x1x64x128xf32, #tpu.memory_space<vmem_shared>>
      %dma_start3A_241 = tpu.memref_squeeze %dma_start3A_240 : memref<1x1x64x128xf32, #tpu.memory_space<vmem_shared>> -> memref<64x128xf32, #tpu.memory_space<vmem_shared>>
      %dma_start3A_242 = arith.constant 0 : i32
      %dma_start3A_243 = arith.constant 0 : i32
      %dma_start3A_244 = tpu.memref_slice %arg6[%dma_start3A_228, %dma_start3A_242, %dma_start3A_243] : memref<8x64x128xf32, #tpu.memory_space<vmem>> -> memref<1x64x128xf32, #tpu.memory_space<vmem>>
      %dma_start3A_245 = tpu.memref_squeeze %dma_start3A_244 : memref<1x64x128xf32, #tpu.memory_space<vmem>> -> memref<64x128xf32, #tpu.memory_space<vmem>>
      tpu.enqueue_dma source(%dma_start3A_245 : memref<64x128xf32, #tpu.memory_space<vmem>>) target(%dma_start3A_241 : memref<64x128xf32, #tpu.memory_space<vmem_shared>>) target_semaphore(%arg17 : memref<!tpu.dma_semaphore, #tpu.memory_space<semaphore_mem>>)
      %ge3A_246 = arith.constant 1 : i32
      %ge3A_247 = arith.cmpi sge, %add3A_210, %ge3A_246 : i32
      %convert_element_type3A_248 = arith.extui %ge3A_247 : i1 to i32
      %cond3A_249 = arith.constant 0 : i32
      %cond3A_250 = arith.cmpi ne, %convert_element_type3A_248, %cond3A_249 : i32
      scf.if %cond3A_250 {
        %dma_wait3A_565 = arith.constant 0 : i32
        %dma_wait3A_566 = arith.constant 0 : i32
        %dma_wait3A_567 = arith.constant 0 : i32
        %dma_wait3A_568 = arith.constant 0 : i32
        %dma_wait3A_569 = tpu.memref_slice %arg6[%dma_wait3A_565, %dma_wait3A_567, %dma_wait3A_568] : memref<8x64x128xf32, #tpu.memory_space<vmem>> -> memref<1x64x128xf32, #tpu.memory_space<vmem>>
        %dma_wait3A_570 = tpu.memref_squeeze %dma_wait3A_569 : memref<1x64x128xf32, #tpu.memory_space<vmem>> -> memref<64x128xf32, #tpu.memory_space<vmem>>
        %dma_wait3A_571 = arith.constant 0 : i32
        %dma_wait3A_572 = arith.constant 0 : i32
        %dma_wait3A_573 = tpu.memref_slice %arg7[%arg1, %dma_wait3A_566, %dma_wait3A_571, %dma_wait3A_572] : memref<16x4x64x128xf32, #tpu.memory_space<vmem_shared>> -> memref<1x1x64x128xf32, #tpu.memory_space<vmem_shared>>
        %dma_wait3A_574 = tpu.memref_squeeze %dma_wait3A_573 : memref<1x1x64x128xf32, #tpu.memory_space<vmem_shared>> -> memref<64x128xf32, #tpu.memory_space<vmem_shared>>
        %dma_wait3A_575 = arith.constant 0 : i32
        %dma_wait3A_576 = arith.constant 0 : i32
        %dma_wait3A_577 = tpu.memref_slice %arg7[%arg1, %dma_wait3A_566, %dma_wait3A_575, %dma_wait3A_576] : memref<16x4x64x128xf32, #tpu.memory_space<vmem_shared>> -> memref<1x1x64x128xf32, #tpu.memory_space<vmem_shared>>
        %dma_wait3A_578 = tpu.memref_squeeze %dma_wait3A_577 : memref<1x1x64x128xf32, #tpu.memory_space<vmem_shared>> -> memref<64x128xf32, #tpu.memory_space<vmem_shared>>
        %dma_wait3A_579 = arith.constant 0 : i32
        %dma_wait3A_580 = arith.constant 0 : i32
        %dma_wait3A_581 = tpu.memref_slice %arg6[%dma_wait3A_565, %dma_wait3A_579, %dma_wait3A_580] : memref<8x64x128xf32, #tpu.memory_space<vmem>> -> memref<1x64x128xf32, #tpu.memory_space<vmem>>
        %dma_wait3A_582 = tpu.memref_squeeze %dma_wait3A_581 : memref<1x64x128xf32, #tpu.memory_space<vmem>> -> memref<64x128xf32, #tpu.memory_space<vmem>>
        tpu.wait_dma2 semaphore(%arg16 : memref<!tpu.dma_semaphore, #tpu.memory_space<semaphore_mem>>) src(%dma_wait3A_582 : memref<64x128xf32, #tpu.memory_space<vmem>>) dst(%dma_wait3A_578 : memref<64x128xf32, #tpu.memory_space<vmem_shared>>)
        %sub3A = arith.constant 1 : i32
        %sub3A_583 = arith.subi %add3A_210, %sub3A : i32
        %add3A_584 = arith.addi %mul3A_2, %sub3A_583 : i32
        %mul3A_585 = arith.constant 64 : i32
        %mul3A_586 = arith.muli %add3A_584, %mul3A_585 : i32
        %dma_start3A_587 = arith.constant 0 : i32
        %dma_start3A_588 = arith.constant 0 : i32
        %dma_start3A_589 = tpu.memref_slice %arg4[%mul3A_586, %dma_start3A_588] : memref<819200x128xf32, #tpu.memory_space<hbm>> -> memref<64x128xf32, #tpu.memory_space<hbm>>
        %dma_start3A_590 = arith.constant 0 : i32
        %dma_start3A_591 = arith.constant 0 : i32
        %dma_start3A_592 = tpu.memref_slice %arg7[%arg1, %dma_start3A_587, %dma_start3A_590, %dma_start3A_591] : memref<16x4x64x128xf32, #tpu.memory_space<vmem_shared>> -> memref<1x1x64x128xf32, #tpu.memory_space<vmem_shared>>
        %dma_start3A_593 = tpu.memref_squeeze %dma_start3A_592 : memref<1x1x64x128xf32, #tpu.memory_space<vmem_shared>> -> memref<64x128xf32, #tpu.memory_space<vmem_shared>>
        tpu.enqueue_dma source(%dma_start3A_593 : memref<64x128xf32, #tpu.memory_space<vmem_shared>>) target(%dma_start3A_589 : memref<64x128xf32, #tpu.memory_space<hbm>>) target_semaphore(%arg24 : memref<!tpu.dma_semaphore, #tpu.memory_space<semaphore_mem>>)
      } else {
      }
      %add3A_251 = arith.constant 7 : i32
      %add3A_252 = arith.addi %add3A_210, %add3A_251 : i32
      %lt3A_253 = arith.constant 400 : i32
      %lt3A_254 = arith.cmpi slt, %add3A_252, %lt3A_253 : i32
      %convert_element_type3A_255 = arith.extui %lt3A_254 : i1 to i32
      %cond3A_256 = arith.constant 0 : i32
      %cond3A_257 = arith.cmpi ne, %convert_element_type3A_255, %cond3A_256 : i32
      scf.if %cond3A_257 {
        %add3A_565 = arith.constant 7 : i32
        %add3A_566 = arith.addi %add3A_210, %add3A_565 : i32
        %jit3A = arith.constant 2 : i32
        %div3A = arith.divsi %add3A_566, %jit3A : i32
        %sign3A = arith.constant 0 : i32
        %sign3A_567 = arith.cmpi sgt, %add3A_566, %sign3A : i32
        %sign3A_568 = arith.extui %sign3A_567 : i1 to i32
        %sign3A_569 = arith.constant 0 : i32
        %sign3A_570 = arith.cmpi slt, %add3A_566, %sign3A_569 : i32
        %sign3A_571 = arith.extui %sign3A_570 : i1 to i32
        %sign3A_572 = arith.subi %sign3A_568, %sign3A_571 : i32
        %sign3A_573 = arith.constant 0 : i32
        %sign3A_574 = arith.cmpi sgt, %jit3A, %sign3A_573 : i32
        %sign3A_575 = arith.extui %sign3A_574 : i1 to i32
        %sign3A_576 = arith.constant 0 : i32
        %sign3A_577 = arith.cmpi slt, %jit3A, %sign3A_576 : i32
        %sign3A_578 = arith.extui %sign3A_577 : i1 to i32
        %sign3A_579 = arith.subi %sign3A_575, %sign3A_578 : i32
        %ne3A = arith.cmpi ne, %sign3A_572, %sign3A_579 : i32
        %rem3A = arith.remsi %add3A_566, %jit3A : i32
        %ne3A_580 = arith.constant 0 : i32
        %ne3A_581 = arith.cmpi ne, %rem3A, %ne3A_580 : i32
        %and3A = arith.andi %ne3A, %ne3A_581 : i1
        %sub3A = arith.constant 1 : i32
        %sub3A_582 = arith.subi %div3A, %sub3A : i32
        %select_n3A = arith.select %and3A, %sub3A_582, %div3A : i32
        %dma_start3A_583 = arith.constant 0 : i32
        %dma_start3A_584 = arith.constant 0 : i32
        %dma_start3A_585 = arith.constant 0 : i32
        %dma_start3A_586 = tpu.memref_slice %arg6[%dma_start3A_583, %dma_start3A_584, %dma_start3A_585] : memref<8x64x128xf32, #tpu.memory_space<vmem>> -> memref<1x64x128xf32, #tpu.memory_space<vmem>>
        %dma_start3A_587 = tpu.memref_squeeze %dma_start3A_586 : memref<1x64x128xf32, #tpu.memory_space<vmem>> -> memref<64x128xf32, #tpu.memory_space<vmem>>
        %dma_start3A_588 = arith.constant 0 : i32
        %dma_start3A_589 = tpu.memref_slice %arg5[%select_n3A, %dma_start3A_588] : memref<200x128xi32, #tpu.memory_space<vmem>> -> memref<1x64xi32, #tpu.memory_space<vmem>>
        %dma_start3A_590 = tpu.memref_squeeze %dma_start3A_589 : memref<1x64xi32, #tpu.memory_space<vmem>> -> memref<64xi32, #tpu.memory_space<vmem>>
        %dma_start3A_591 = arith.constant 0 : i32
        %dma_start3A_592 = arith.constant 0 : i32
        %dma_start3A_593 = tpu.memref_slice %arg3[%dma_start3A_591, %dma_start3A_592] : memref<100000x128xf32, #tpu.memory_space<hbm>> -> memref<100000x128xf32, #tpu.memory_space<hbm>>
        tpu.enqueue_indirect_dma source(%dma_start3A_593 : memref<100000x128xf32, #tpu.memory_space<hbm>>) target(%dma_start3A_587 : memref<64x128xf32, #tpu.memory_space<vmem>>) offsets(%dma_start3A_590 : memref<64xi32, #tpu.memory_space<vmem>>) semaphore(%arg8 : memref<!tpu.dma_semaphore, #tpu.memory_space<semaphore_mem>>)
      } else {
      }
      %mul3A_258 = arith.constant 8 : i32
      %mul3A_259 = arith.muli %scan3A_158, %mul3A_258 : i32
      %add3A_260 = arith.constant 2 : i32
      %add3A_261 = arith.addi %mul3A_259, %add3A_260 : i32
      %dma_wait3A_262 = arith.constant 0 : i32
      %dma_wait3A_263 = arith.constant 2 : i32
      %dma_wait3A_264 = arith.constant 0 : i32
      %dma_wait3A_265 = arith.constant 0 : i32
      %dma_wait3A_266 = tpu.memref_slice %arg6[%dma_wait3A_263, %dma_wait3A_264, %dma_wait3A_265] : memref<8x64x128xf32, #tpu.memory_space<vmem>> -> memref<1x64x128xf32, #tpu.memory_space<vmem>>
      %dma_wait3A_267 = tpu.memref_squeeze %dma_wait3A_266 : memref<1x64x128xf32, #tpu.memory_space<vmem>> -> memref<64x128xf32, #tpu.memory_space<vmem>>
      %dma_wait3A_268 = arith.constant 0 : i32
      %dma_wait3A_269 = tpu.memref_slice %arg5[%dma_wait3A_262, %dma_wait3A_268] : memref<200x128xi32, #tpu.memory_space<vmem>> -> memref<1x64xi32, #tpu.memory_space<vmem>>
      %dma_wait3A_270 = tpu.memref_squeeze %dma_wait3A_269 : memref<1x64xi32, #tpu.memory_space<vmem>> -> memref<64xi32, #tpu.memory_space<vmem>>
      %dma_wait3A_271 = arith.constant 0 : i32
      %dma_wait3A_272 = arith.constant 0 : i32
      %dma_wait3A_273 = tpu.memref_slice %arg3[%dma_wait3A_271, %dma_wait3A_272] : memref<100000x128xf32, #tpu.memory_space<hbm>> -> memref<100000x128xf32, #tpu.memory_space<hbm>>
      tpu.wait_indirect_dma semaphore(%arg10 : memref<!tpu.dma_semaphore, #tpu.memory_space<semaphore_mem>>) src(%dma_wait3A_273 : memref<100000x128xf32, #tpu.memory_space<hbm>>) dst(%dma_wait3A_267 : memref<64x128xf32, #tpu.memory_space<vmem>>)
      %ge3A_274 = arith.constant 4 : i32
      %ge3A_275 = arith.cmpi sge, %add3A_261, %ge3A_274 : i32
      %convert_element_type3A_276 = arith.extui %ge3A_275 : i1 to i32
      %cond3A_277 = arith.constant 0 : i32
      %cond3A_278 = arith.cmpi ne, %convert_element_type3A_276, %cond3A_277 : i32
      scf.if %cond3A_278 {
        %mul3A_565 = arith.constant 64 : i32
        %mul3A_566 = arith.muli %mul3A_2, %mul3A_565 : i32
        %dma_wait3A_567 = arith.constant 2 : i32
        %dma_wait3A_568 = arith.constant 0 : i32
        %dma_wait3A_569 = tpu.memref_slice %arg4[%mul3A_566, %dma_wait3A_568] : memref<819200x128xf32, #tpu.memory_space<hbm>> -> memref<64x128xf32, #tpu.memory_space<hbm>>
        %dma_wait3A_570 = arith.constant 0 : i32
        %dma_wait3A_571 = arith.constant 0 : i32
        %dma_wait3A_572 = tpu.memref_slice %arg7[%arg1, %dma_wait3A_567, %dma_wait3A_570, %dma_wait3A_571] : memref<16x4x64x128xf32, #tpu.memory_space<vmem_shared>> -> memref<1x1x64x128xf32, #tpu.memory_space<vmem_shared>>
        %dma_wait3A_573 = tpu.memref_squeeze %dma_wait3A_572 : memref<1x1x64x128xf32, #tpu.memory_space<vmem_shared>> -> memref<64x128xf32, #tpu.memory_space<vmem_shared>>
        tpu.wait_dma2 semaphore(%arg26 : memref<!tpu.dma_semaphore, #tpu.memory_space<semaphore_mem>>) src(%dma_wait3A_573 : memref<64x128xf32, #tpu.memory_space<vmem_shared>>) dst(%dma_wait3A_569 : memref<64x128xf32, #tpu.memory_space<hbm>>)
      } else {
      }
      %dma_start3A_279 = arith.constant 2 : i32
      %dma_start3A_280 = arith.constant 2 : i32
      %dma_start3A_281 = arith.constant 0 : i32
      %dma_start3A_282 = arith.constant 0 : i32
      %dma_start3A_283 = tpu.memref_slice %arg6[%dma_start3A_279, %dma_start3A_281, %dma_start3A_282] : memref<8x64x128xf32, #tpu.memory_space<vmem>> -> memref<1x64x128xf32, #tpu.memory_space<vmem>>
      %dma_start3A_284 = tpu.memref_squeeze %dma_start3A_283 : memref<1x64x128xf32, #tpu.memory_space<vmem>> -> memref<64x128xf32, #tpu.memory_space<vmem>>
      %dma_start3A_285 = arith.constant 0 : i32
      %dma_start3A_286 = arith.constant 0 : i32
      %dma_start3A_287 = tpu.memref_slice %arg7[%arg1, %dma_start3A_280, %dma_start3A_285, %dma_start3A_286] : memref<16x4x64x128xf32, #tpu.memory_space<vmem_shared>> -> memref<1x1x64x128xf32, #tpu.memory_space<vmem_shared>>
      %dma_start3A_288 = tpu.memref_squeeze %dma_start3A_287 : memref<1x1x64x128xf32, #tpu.memory_space<vmem_shared>> -> memref<64x128xf32, #tpu.memory_space<vmem_shared>>
      %dma_start3A_289 = arith.constant 0 : i32
      %dma_start3A_290 = arith.constant 0 : i32
      %dma_start3A_291 = tpu.memref_slice %arg7[%arg1, %dma_start3A_280, %dma_start3A_289, %dma_start3A_290] : memref<16x4x64x128xf32, #tpu.memory_space<vmem_shared>> -> memref<1x1x64x128xf32, #tpu.memory_space<vmem_shared>>
      %dma_start3A_292 = tpu.memref_squeeze %dma_start3A_291 : memref<1x1x64x128xf32, #tpu.memory_space<vmem_shared>> -> memref<64x128xf32, #tpu.memory_space<vmem_shared>>
      %dma_start3A_293 = arith.constant 0 : i32
      %dma_start3A_294 = arith.constant 0 : i32
      %dma_start3A_295 = tpu.memref_slice %arg6[%dma_start3A_279, %dma_start3A_293, %dma_start3A_294] : memref<8x64x128xf32, #tpu.memory_space<vmem>> -> memref<1x64x128xf32, #tpu.memory_space<vmem>>
      %dma_start3A_296 = tpu.memref_squeeze %dma_start3A_295 : memref<1x64x128xf32, #tpu.memory_space<vmem>> -> memref<64x128xf32, #tpu.memory_space<vmem>>
      tpu.enqueue_dma source(%dma_start3A_296 : memref<64x128xf32, #tpu.memory_space<vmem>>) target(%dma_start3A_292 : memref<64x128xf32, #tpu.memory_space<vmem_shared>>) target_semaphore(%arg18 : memref<!tpu.dma_semaphore, #tpu.memory_space<semaphore_mem>>)
      %ge3A_297 = arith.constant 1 : i32
      %ge3A_298 = arith.cmpi sge, %add3A_261, %ge3A_297 : i32
      %convert_element_type3A_299 = arith.extui %ge3A_298 : i1 to i32
      %cond3A_300 = arith.constant 0 : i32
      %cond3A_301 = arith.cmpi ne, %convert_element_type3A_299, %cond3A_300 : i32
      scf.if %cond3A_301 {
        %dma_wait3A_565 = arith.constant 1 : i32
        %dma_wait3A_566 = arith.constant 1 : i32
        %dma_wait3A_567 = arith.constant 0 : i32
        %dma_wait3A_568 = arith.constant 0 : i32
        %dma_wait3A_569 = tpu.memref_slice %arg6[%dma_wait3A_565, %dma_wait3A_567, %dma_wait3A_568] : memref<8x64x128xf32, #tpu.memory_space<vmem>> -> memref<1x64x128xf32, #tpu.memory_space<vmem>>
        %dma_wait3A_570 = tpu.memref_squeeze %dma_wait3A_569 : memref<1x64x128xf32, #tpu.memory_space<vmem>> -> memref<64x128xf32, #tpu.memory_space<vmem>>
        %dma_wait3A_571 = arith.constant 0 : i32
        %dma_wait3A_572 = arith.constant 0 : i32
        %dma_wait3A_573 = tpu.memref_slice %arg7[%arg1, %dma_wait3A_566, %dma_wait3A_571, %dma_wait3A_572] : memref<16x4x64x128xf32, #tpu.memory_space<vmem_shared>> -> memref<1x1x64x128xf32, #tpu.memory_space<vmem_shared>>
        %dma_wait3A_574 = tpu.memref_squeeze %dma_wait3A_573 : memref<1x1x64x128xf32, #tpu.memory_space<vmem_shared>> -> memref<64x128xf32, #tpu.memory_space<vmem_shared>>
        %dma_wait3A_575 = arith.constant 0 : i32
        %dma_wait3A_576 = arith.constant 0 : i32
        %dma_wait3A_577 = tpu.memref_slice %arg7[%arg1, %dma_wait3A_566, %dma_wait3A_575, %dma_wait3A_576] : memref<16x4x64x128xf32, #tpu.memory_space<vmem_shared>> -> memref<1x1x64x128xf32, #tpu.memory_space<vmem_shared>>
        %dma_wait3A_578 = tpu.memref_squeeze %dma_wait3A_577 : memref<1x1x64x128xf32, #tpu.memory_space<vmem_shared>> -> memref<64x128xf32, #tpu.memory_space<vmem_shared>>
        %dma_wait3A_579 = arith.constant 0 : i32
        %dma_wait3A_580 = arith.constant 0 : i32
        %dma_wait3A_581 = tpu.memref_slice %arg6[%dma_wait3A_565, %dma_wait3A_579, %dma_wait3A_580] : memref<8x64x128xf32, #tpu.memory_space<vmem>> -> memref<1x64x128xf32, #tpu.memory_space<vmem>>
        %dma_wait3A_582 = tpu.memref_squeeze %dma_wait3A_581 : memref<1x64x128xf32, #tpu.memory_space<vmem>> -> memref<64x128xf32, #tpu.memory_space<vmem>>
        tpu.wait_dma2 semaphore(%arg17 : memref<!tpu.dma_semaphore, #tpu.memory_space<semaphore_mem>>) src(%dma_wait3A_582 : memref<64x128xf32, #tpu.memory_space<vmem>>) dst(%dma_wait3A_578 : memref<64x128xf32, #tpu.memory_space<vmem_shared>>)
        %sub3A = arith.constant 1 : i32
        %sub3A_583 = arith.subi %add3A_261, %sub3A : i32
        %add3A_584 = arith.addi %mul3A_2, %sub3A_583 : i32
        %mul3A_585 = arith.constant 64 : i32
        %mul3A_586 = arith.muli %add3A_584, %mul3A_585 : i32
        %dma_start3A_587 = arith.constant 1 : i32
        %dma_start3A_588 = arith.constant 0 : i32
        %dma_start3A_589 = tpu.memref_slice %arg4[%mul3A_586, %dma_start3A_588] : memref<819200x128xf32, #tpu.memory_space<hbm>> -> memref<64x128xf32, #tpu.memory_space<hbm>>
        %dma_start3A_590 = arith.constant 0 : i32
        %dma_start3A_591 = arith.constant 0 : i32
        %dma_start3A_592 = tpu.memref_slice %arg7[%arg1, %dma_start3A_587, %dma_start3A_590, %dma_start3A_591] : memref<16x4x64x128xf32, #tpu.memory_space<vmem_shared>> -> memref<1x1x64x128xf32, #tpu.memory_space<vmem_shared>>
        %dma_start3A_593 = tpu.memref_squeeze %dma_start3A_592 : memref<1x1x64x128xf32, #tpu.memory_space<vmem_shared>> -> memref<64x128xf32, #tpu.memory_space<vmem_shared>>
        tpu.enqueue_dma source(%dma_start3A_593 : memref<64x128xf32, #tpu.memory_space<vmem_shared>>) target(%dma_start3A_589 : memref<64x128xf32, #tpu.memory_space<hbm>>) target_semaphore(%arg25 : memref<!tpu.dma_semaphore, #tpu.memory_space<semaphore_mem>>)
      } else {
      }
      %add3A_302 = arith.constant 7 : i32
      %add3A_303 = arith.addi %add3A_261, %add3A_302 : i32
      %lt3A_304 = arith.constant 400 : i32
      %lt3A_305 = arith.cmpi slt, %add3A_303, %lt3A_304 : i32
      %convert_element_type3A_306 = arith.extui %lt3A_305 : i1 to i32
      %cond3A_307 = arith.constant 0 : i32
      %cond3A_308 = arith.cmpi ne, %convert_element_type3A_306, %cond3A_307 : i32
      scf.if %cond3A_308 {
        %add3A_565 = arith.constant 7 : i32
        %add3A_566 = arith.addi %add3A_261, %add3A_565 : i32
        %jit3A = arith.constant 2 : i32
        %div3A = arith.divsi %add3A_566, %jit3A : i32
        %sign3A = arith.constant 0 : i32
        %sign3A_567 = arith.cmpi sgt, %add3A_566, %sign3A : i32
        %sign3A_568 = arith.extui %sign3A_567 : i1 to i32
        %sign3A_569 = arith.constant 0 : i32
        %sign3A_570 = arith.cmpi slt, %add3A_566, %sign3A_569 : i32
        %sign3A_571 = arith.extui %sign3A_570 : i1 to i32
        %sign3A_572 = arith.subi %sign3A_568, %sign3A_571 : i32
        %sign3A_573 = arith.constant 0 : i32
        %sign3A_574 = arith.cmpi sgt, %jit3A, %sign3A_573 : i32
        %sign3A_575 = arith.extui %sign3A_574 : i1 to i32
        %sign3A_576 = arith.constant 0 : i32
        %sign3A_577 = arith.cmpi slt, %jit3A, %sign3A_576 : i32
        %sign3A_578 = arith.extui %sign3A_577 : i1 to i32
        %sign3A_579 = arith.subi %sign3A_575, %sign3A_578 : i32
        %ne3A = arith.cmpi ne, %sign3A_572, %sign3A_579 : i32
        %rem3A = arith.remsi %add3A_566, %jit3A : i32
        %ne3A_580 = arith.constant 0 : i32
        %ne3A_581 = arith.cmpi ne, %rem3A, %ne3A_580 : i32
        %and3A = arith.andi %ne3A, %ne3A_581 : i1
        %sub3A = arith.constant 1 : i32
        %sub3A_582 = arith.subi %div3A, %sub3A : i32
        %select_n3A = arith.select %and3A, %sub3A_582, %div3A : i32
        %dma_start3A_583 = arith.constant 1 : i32
        %dma_start3A_584 = arith.constant 0 : i32
        %dma_start3A_585 = arith.constant 0 : i32
        %dma_start3A_586 = tpu.memref_slice %arg6[%dma_start3A_583, %dma_start3A_584, %dma_start3A_585] : memref<8x64x128xf32, #tpu.memory_space<vmem>> -> memref<1x64x128xf32, #tpu.memory_space<vmem>>
        %dma_start3A_587 = tpu.memref_squeeze %dma_start3A_586 : memref<1x64x128xf32, #tpu.memory_space<vmem>> -> memref<64x128xf32, #tpu.memory_space<vmem>>
        %dma_start3A_588 = arith.constant 64 : i32
        %dma_start3A_589 = tpu.memref_slice %arg5[%select_n3A, %dma_start3A_588] : memref<200x128xi32, #tpu.memory_space<vmem>> -> memref<1x64xi32, #tpu.memory_space<vmem>>
        %dma_start3A_590 = tpu.memref_squeeze %dma_start3A_589 : memref<1x64xi32, #tpu.memory_space<vmem>> -> memref<64xi32, #tpu.memory_space<vmem>>
        %dma_start3A_591 = arith.constant 0 : i32
        %dma_start3A_592 = arith.constant 0 : i32
        %dma_start3A_593 = tpu.memref_slice %arg3[%dma_start3A_591, %dma_start3A_592] : memref<100000x128xf32, #tpu.memory_space<hbm>> -> memref<100000x128xf32, #tpu.memory_space<hbm>>
        tpu.enqueue_indirect_dma source(%dma_start3A_593 : memref<100000x128xf32, #tpu.memory_space<hbm>>) target(%dma_start3A_587 : memref<64x128xf32, #tpu.memory_space<vmem>>) offsets(%dma_start3A_590 : memref<64xi32, #tpu.memory_space<vmem>>) semaphore(%arg9 : memref<!tpu.dma_semaphore, #tpu.memory_space<semaphore_mem>>)
      } else {
      }
      %mul3A_309 = arith.constant 8 : i32
      %mul3A_310 = arith.muli %scan3A_158, %mul3A_309 : i32
      %add3A_311 = arith.constant 3 : i32
      %add3A_312 = arith.addi %mul3A_310, %add3A_311 : i32
      %dma_wait3A_313 = arith.constant 0 : i32
      %dma_wait3A_314 = arith.constant 3 : i32
      %dma_wait3A_315 = arith.constant 0 : i32
      %dma_wait3A_316 = arith.constant 0 : i32
      %dma_wait3A_317 = tpu.memref_slice %arg6[%dma_wait3A_314, %dma_wait3A_315, %dma_wait3A_316] : memref<8x64x128xf32, #tpu.memory_space<vmem>> -> memref<1x64x128xf32, #tpu.memory_space<vmem>>
      %dma_wait3A_318 = tpu.memref_squeeze %dma_wait3A_317 : memref<1x64x128xf32, #tpu.memory_space<vmem>> -> memref<64x128xf32, #tpu.memory_space<vmem>>
      %dma_wait3A_319 = arith.constant 0 : i32
      %dma_wait3A_320 = tpu.memref_slice %arg5[%dma_wait3A_313, %dma_wait3A_319] : memref<200x128xi32, #tpu.memory_space<vmem>> -> memref<1x64xi32, #tpu.memory_space<vmem>>
      %dma_wait3A_321 = tpu.memref_squeeze %dma_wait3A_320 : memref<1x64xi32, #tpu.memory_space<vmem>> -> memref<64xi32, #tpu.memory_space<vmem>>
      %dma_wait3A_322 = arith.constant 0 : i32
      %dma_wait3A_323 = arith.constant 0 : i32
      %dma_wait3A_324 = tpu.memref_slice %arg3[%dma_wait3A_322, %dma_wait3A_323] : memref<100000x128xf32, #tpu.memory_space<hbm>> -> memref<100000x128xf32, #tpu.memory_space<hbm>>
      tpu.wait_indirect_dma semaphore(%arg11 : memref<!tpu.dma_semaphore, #tpu.memory_space<semaphore_mem>>) src(%dma_wait3A_324 : memref<100000x128xf32, #tpu.memory_space<hbm>>) dst(%dma_wait3A_318 : memref<64x128xf32, #tpu.memory_space<vmem>>)
      %ge3A_325 = arith.constant 4 : i32
      %ge3A_326 = arith.cmpi sge, %add3A_312, %ge3A_325 : i32
      %convert_element_type3A_327 = arith.extui %ge3A_326 : i1 to i32
      %cond3A_328 = arith.constant 0 : i32
      %cond3A_329 = arith.cmpi ne, %convert_element_type3A_327, %cond3A_328 : i32
      scf.if %cond3A_329 {
        %mul3A_565 = arith.constant 64 : i32
        %mul3A_566 = arith.muli %mul3A_2, %mul3A_565 : i32
        %dma_wait3A_567 = arith.constant 3 : i32
        %dma_wait3A_568 = arith.constant 0 : i32
        %dma_wait3A_569 = tpu.memref_slice %arg4[%mul3A_566, %dma_wait3A_568] : memref<819200x128xf32, #tpu.memory_space<hbm>> -> memref<64x128xf32, #tpu.memory_space<hbm>>
        %dma_wait3A_570 = arith.constant 0 : i32
        %dma_wait3A_571 = arith.constant 0 : i32
        %dma_wait3A_572 = tpu.memref_slice %arg7[%arg1, %dma_wait3A_567, %dma_wait3A_570, %dma_wait3A_571] : memref<16x4x64x128xf32, #tpu.memory_space<vmem_shared>> -> memref<1x1x64x128xf32, #tpu.memory_space<vmem_shared>>
        %dma_wait3A_573 = tpu.memref_squeeze %dma_wait3A_572 : memref<1x1x64x128xf32, #tpu.memory_space<vmem_shared>> -> memref<64x128xf32, #tpu.memory_space<vmem_shared>>
        tpu.wait_dma2 semaphore(%arg27 : memref<!tpu.dma_semaphore, #tpu.memory_space<semaphore_mem>>) src(%dma_wait3A_573 : memref<64x128xf32, #tpu.memory_space<vmem_shared>>) dst(%dma_wait3A_569 : memref<64x128xf32, #tpu.memory_space<hbm>>)
      } else {
      }
      %dma_start3A_330 = arith.constant 3 : i32
      %dma_start3A_331 = arith.constant 3 : i32
      %dma_start3A_332 = arith.constant 0 : i32
      %dma_start3A_333 = arith.constant 0 : i32
      %dma_start3A_334 = tpu.memref_slice %arg6[%dma_start3A_330, %dma_start3A_332, %dma_start3A_333] : memref<8x64x128xf32, #tpu.memory_space<vmem>> -> memref<1x64x128xf32, #tpu.memory_space<vmem>>
      %dma_start3A_335 = tpu.memref_squeeze %dma_start3A_334 : memref<1x64x128xf32, #tpu.memory_space<vmem>> -> memref<64x128xf32, #tpu.memory_space<vmem>>
      %dma_start3A_336 = arith.constant 0 : i32
      %dma_start3A_337 = arith.constant 0 : i32
      %dma_start3A_338 = tpu.memref_slice %arg7[%arg1, %dma_start3A_331, %dma_start3A_336, %dma_start3A_337] : memref<16x4x64x128xf32, #tpu.memory_space<vmem_shared>> -> memref<1x1x64x128xf32, #tpu.memory_space<vmem_shared>>
      %dma_start3A_339 = tpu.memref_squeeze %dma_start3A_338 : memref<1x1x64x128xf32, #tpu.memory_space<vmem_shared>> -> memref<64x128xf32, #tpu.memory_space<vmem_shared>>
      %dma_start3A_340 = arith.constant 0 : i32
      %dma_start3A_341 = arith.constant 0 : i32
      %dma_start3A_342 = tpu.memref_slice %arg7[%arg1, %dma_start3A_331, %dma_start3A_340, %dma_start3A_341] : memref<16x4x64x128xf32, #tpu.memory_space<vmem_shared>> -> memref<1x1x64x128xf32, #tpu.memory_space<vmem_shared>>
      %dma_start3A_343 = tpu.memref_squeeze %dma_start3A_342 : memref<1x1x64x128xf32, #tpu.memory_space<vmem_shared>> -> memref<64x128xf32, #tpu.memory_space<vmem_shared>>
      %dma_start3A_344 = arith.constant 0 : i32
      %dma_start3A_345 = arith.constant 0 : i32
      %dma_start3A_346 = tpu.memref_slice %arg6[%dma_start3A_330, %dma_start3A_344, %dma_start3A_345] : memref<8x64x128xf32, #tpu.memory_space<vmem>> -> memref<1x64x128xf32, #tpu.memory_space<vmem>>
      %dma_start3A_347 = tpu.memref_squeeze %dma_start3A_346 : memref<1x64x128xf32, #tpu.memory_space<vmem>> -> memref<64x128xf32, #tpu.memory_space<vmem>>
      tpu.enqueue_dma source(%dma_start3A_347 : memref<64x128xf32, #tpu.memory_space<vmem>>) target(%dma_start3A_343 : memref<64x128xf32, #tpu.memory_space<vmem_shared>>) target_semaphore(%arg19 : memref<!tpu.dma_semaphore, #tpu.memory_space<semaphore_mem>>)
      %ge3A_348 = arith.constant 1 : i32
      %ge3A_349 = arith.cmpi sge, %add3A_312, %ge3A_348 : i32
      %convert_element_type3A_350 = arith.extui %ge3A_349 : i1 to i32
      %cond3A_351 = arith.constant 0 : i32
      %cond3A_352 = arith.cmpi ne, %convert_element_type3A_350, %cond3A_351 : i32
      scf.if %cond3A_352 {
        %dma_wait3A_565 = arith.constant 2 : i32
        %dma_wait3A_566 = arith.constant 2 : i32
        %dma_wait3A_567 = arith.constant 0 : i32
        %dma_wait3A_568 = arith.constant 0 : i32
        %dma_wait3A_569 = tpu.memref_slice %arg6[%dma_wait3A_565, %dma_wait3A_567, %dma_wait3A_568] : memref<8x64x128xf32, #tpu.memory_space<vmem>> -> memref<1x64x128xf32, #tpu.memory_space<vmem>>
        %dma_wait3A_570 = tpu.memref_squeeze %dma_wait3A_569 : memref<1x64x128xf32, #tpu.memory_space<vmem>> -> memref<64x128xf32, #tpu.memory_space<vmem>>
        %dma_wait3A_571 = arith.constant 0 : i32
        %dma_wait3A_572 = arith.constant 0 : i32
        %dma_wait3A_573 = tpu.memref_slice %arg7[%arg1, %dma_wait3A_566, %dma_wait3A_571, %dma_wait3A_572] : memref<16x4x64x128xf32, #tpu.memory_space<vmem_shared>> -> memref<1x1x64x128xf32, #tpu.memory_space<vmem_shared>>
        %dma_wait3A_574 = tpu.memref_squeeze %dma_wait3A_573 : memref<1x1x64x128xf32, #tpu.memory_space<vmem_shared>> -> memref<64x128xf32, #tpu.memory_space<vmem_shared>>
        %dma_wait3A_575 = arith.constant 0 : i32
        %dma_wait3A_576 = arith.constant 0 : i32
        %dma_wait3A_577 = tpu.memref_slice %arg7[%arg1, %dma_wait3A_566, %dma_wait3A_575, %dma_wait3A_576] : memref<16x4x64x128xf32, #tpu.memory_space<vmem_shared>> -> memref<1x1x64x128xf32, #tpu.memory_space<vmem_shared>>
        %dma_wait3A_578 = tpu.memref_squeeze %dma_wait3A_577 : memref<1x1x64x128xf32, #tpu.memory_space<vmem_shared>> -> memref<64x128xf32, #tpu.memory_space<vmem_shared>>
        %dma_wait3A_579 = arith.constant 0 : i32
        %dma_wait3A_580 = arith.constant 0 : i32
        %dma_wait3A_581 = tpu.memref_slice %arg6[%dma_wait3A_565, %dma_wait3A_579, %dma_wait3A_580] : memref<8x64x128xf32, #tpu.memory_space<vmem>> -> memref<1x64x128xf32, #tpu.memory_space<vmem>>
        %dma_wait3A_582 = tpu.memref_squeeze %dma_wait3A_581 : memref<1x64x128xf32, #tpu.memory_space<vmem>> -> memref<64x128xf32, #tpu.memory_space<vmem>>
        tpu.wait_dma2 semaphore(%arg18 : memref<!tpu.dma_semaphore, #tpu.memory_space<semaphore_mem>>) src(%dma_wait3A_582 : memref<64x128xf32, #tpu.memory_space<vmem>>) dst(%dma_wait3A_578 : memref<64x128xf32, #tpu.memory_space<vmem_shared>>)
        %sub3A = arith.constant 1 : i32
        %sub3A_583 = arith.subi %add3A_312, %sub3A : i32
        %add3A_584 = arith.addi %mul3A_2, %sub3A_583 : i32
        %mul3A_585 = arith.constant 64 : i32
        %mul3A_586 = arith.muli %add3A_584, %mul3A_585 : i32
        %dma_start3A_587 = arith.constant 2 : i32
        %dma_start3A_588 = arith.constant 0 : i32
        %dma_start3A_589 = tpu.memref_slice %arg4[%mul3A_586, %dma_start3A_588] : memref<819200x128xf32, #tpu.memory_space<hbm>> -> memref<64x128xf32, #tpu.memory_space<hbm>>
        %dma_start3A_590 = arith.constant 0 : i32
        %dma_start3A_591 = arith.constant 0 : i32
        %dma_start3A_592 = tpu.memref_slice %arg7[%arg1, %dma_start3A_587, %dma_start3A_590, %dma_start3A_591] : memref<16x4x64x128xf32, #tpu.memory_space<vmem_shared>> -> memref<1x1x64x128xf32, #tpu.memory_space<vmem_shared>>
        %dma_start3A_593 = tpu.memref_squeeze %dma_start3A_592 : memref<1x1x64x128xf32, #tpu.memory_space<vmem_shared>> -> memref<64x128xf32, #tpu.memory_space<vmem_shared>>
        tpu.enqueue_dma source(%dma_start3A_593 : memref<64x128xf32, #tpu.memory_space<vmem_shared>>) target(%dma_start3A_589 : memref<64x128xf32, #tpu.memory_space<hbm>>) target_semaphore(%arg26 : memref<!tpu.dma_semaphore, #tpu.memory_space<semaphore_mem>>)
      } else {
      }
      %add3A_353 = arith.constant 7 : i32
      %add3A_354 = arith.addi %add3A_312, %add3A_353 : i32
      %lt3A_355 = arith.constant 400 : i32
      %lt3A_356 = arith.cmpi slt, %add3A_354, %lt3A_355 : i32
      %convert_element_type3A_357 = arith.extui %lt3A_356 : i1 to i32
      %cond3A_358 = arith.constant 0 : i32
      %cond3A_359 = arith.cmpi ne, %convert_element_type3A_357, %cond3A_358 : i32
      scf.if %cond3A_359 {
        %add3A_565 = arith.constant 7 : i32
        %add3A_566 = arith.addi %add3A_312, %add3A_565 : i32
        %jit3A = arith.constant 2 : i32
        %div3A = arith.divsi %add3A_566, %jit3A : i32
        %sign3A = arith.constant 0 : i32
        %sign3A_567 = arith.cmpi sgt, %add3A_566, %sign3A : i32
        %sign3A_568 = arith.extui %sign3A_567 : i1 to i32
        %sign3A_569 = arith.constant 0 : i32
        %sign3A_570 = arith.cmpi slt, %add3A_566, %sign3A_569 : i32
        %sign3A_571 = arith.extui %sign3A_570 : i1 to i32
        %sign3A_572 = arith.subi %sign3A_568, %sign3A_571 : i32
        %sign3A_573 = arith.constant 0 : i32
        %sign3A_574 = arith.cmpi sgt, %jit3A, %sign3A_573 : i32
        %sign3A_575 = arith.extui %sign3A_574 : i1 to i32
        %sign3A_576 = arith.constant 0 : i32
        %sign3A_577 = arith.cmpi slt, %jit3A, %sign3A_576 : i32
        %sign3A_578 = arith.extui %sign3A_577 : i1 to i32
        %sign3A_579 = arith.subi %sign3A_575, %sign3A_578 : i32
        %ne3A = arith.cmpi ne, %sign3A_572, %sign3A_579 : i32
        %rem3A = arith.remsi %add3A_566, %jit3A : i32
        %ne3A_580 = arith.constant 0 : i32
        %ne3A_581 = arith.cmpi ne, %rem3A, %ne3A_580 : i32
        %and3A = arith.andi %ne3A, %ne3A_581 : i1
        %sub3A = arith.constant 1 : i32
        %sub3A_582 = arith.subi %div3A, %sub3A : i32
        %select_n3A = arith.select %and3A, %sub3A_582, %div3A : i32
        %dma_start3A_583 = arith.constant 2 : i32
        %dma_start3A_584 = arith.constant 0 : i32
        %dma_start3A_585 = arith.constant 0 : i32
        %dma_start3A_586 = tpu.memref_slice %arg6[%dma_start3A_583, %dma_start3A_584, %dma_start3A_585] : memref<8x64x128xf32, #tpu.memory_space<vmem>> -> memref<1x64x128xf32, #tpu.memory_space<vmem>>
        %dma_start3A_587 = tpu.memref_squeeze %dma_start3A_586 : memref<1x64x128xf32, #tpu.memory_space<vmem>> -> memref<64x128xf32, #tpu.memory_space<vmem>>
        %dma_start3A_588 = arith.constant 0 : i32
        %dma_start3A_589 = tpu.memref_slice %arg5[%select_n3A, %dma_start3A_588] : memref<200x128xi32, #tpu.memory_space<vmem>> -> memref<1x64xi32, #tpu.memory_space<vmem>>
        %dma_start3A_590 = tpu.memref_squeeze %dma_start3A_589 : memref<1x64xi32, #tpu.memory_space<vmem>> -> memref<64xi32, #tpu.memory_space<vmem>>
        %dma_start3A_591 = arith.constant 0 : i32
        %dma_start3A_592 = arith.constant 0 : i32
        %dma_start3A_593 = tpu.memref_slice %arg3[%dma_start3A_591, %dma_start3A_592] : memref<100000x128xf32, #tpu.memory_space<hbm>> -> memref<100000x128xf32, #tpu.memory_space<hbm>>
        tpu.enqueue_indirect_dma source(%dma_start3A_593 : memref<100000x128xf32, #tpu.memory_space<hbm>>) target(%dma_start3A_587 : memref<64x128xf32, #tpu.memory_space<vmem>>) offsets(%dma_start3A_590 : memref<64xi32, #tpu.memory_space<vmem>>) semaphore(%arg10 : memref<!tpu.dma_semaphore, #tpu.memory_space<semaphore_mem>>)
      } else {
      }
      %mul3A_360 = arith.constant 8 : i32
      %mul3A_361 = arith.muli %scan3A_158, %mul3A_360 : i32
      %add3A_362 = arith.constant 4 : i32
      %add3A_363 = arith.addi %mul3A_361, %add3A_362 : i32
      %dma_wait3A_364 = arith.constant 0 : i32
      %dma_wait3A_365 = arith.constant 4 : i32
      %dma_wait3A_366 = arith.constant 0 : i32
      %dma_wait3A_367 = arith.constant 0 : i32
      %dma_wait3A_368 = tpu.memref_slice %arg6[%dma_wait3A_365, %dma_wait3A_366, %dma_wait3A_367] : memref<8x64x128xf32, #tpu.memory_space<vmem>> -> memref<1x64x128xf32, #tpu.memory_space<vmem>>
      %dma_wait3A_369 = tpu.memref_squeeze %dma_wait3A_368 : memref<1x64x128xf32, #tpu.memory_space<vmem>> -> memref<64x128xf32, #tpu.memory_space<vmem>>
      %dma_wait3A_370 = arith.constant 0 : i32
      %dma_wait3A_371 = tpu.memref_slice %arg5[%dma_wait3A_364, %dma_wait3A_370] : memref<200x128xi32, #tpu.memory_space<vmem>> -> memref<1x64xi32, #tpu.memory_space<vmem>>
      %dma_wait3A_372 = tpu.memref_squeeze %dma_wait3A_371 : memref<1x64xi32, #tpu.memory_space<vmem>> -> memref<64xi32, #tpu.memory_space<vmem>>
      %dma_wait3A_373 = arith.constant 0 : i32
      %dma_wait3A_374 = arith.constant 0 : i32
      %dma_wait3A_375 = tpu.memref_slice %arg3[%dma_wait3A_373, %dma_wait3A_374] : memref<100000x128xf32, #tpu.memory_space<hbm>> -> memref<100000x128xf32, #tpu.memory_space<hbm>>
      tpu.wait_indirect_dma semaphore(%arg12 : memref<!tpu.dma_semaphore, #tpu.memory_space<semaphore_mem>>) src(%dma_wait3A_375 : memref<100000x128xf32, #tpu.memory_space<hbm>>) dst(%dma_wait3A_369 : memref<64x128xf32, #tpu.memory_space<vmem>>)
      %ge3A_376 = arith.constant 4 : i32
      %ge3A_377 = arith.cmpi sge, %add3A_363, %ge3A_376 : i32
      %convert_element_type3A_378 = arith.extui %ge3A_377 : i1 to i32
      %cond3A_379 = arith.constant 0 : i32
      %cond3A_380 = arith.cmpi ne, %convert_element_type3A_378, %cond3A_379 : i32
      scf.if %cond3A_380 {
        %mul3A_565 = arith.constant 64 : i32
        %mul3A_566 = arith.muli %mul3A_2, %mul3A_565 : i32
        %dma_wait3A_567 = arith.constant 0 : i32
        %dma_wait3A_568 = arith.constant 0 : i32
        %dma_wait3A_569 = tpu.memref_slice %arg4[%mul3A_566, %dma_wait3A_568] : memref<819200x128xf32, #tpu.memory_space<hbm>> -> memref<64x128xf32, #tpu.memory_space<hbm>>
        %dma_wait3A_570 = arith.constant 0 : i32
        %dma_wait3A_571 = arith.constant 0 : i32
        %dma_wait3A_572 = tpu.memref_slice %arg7[%arg1, %dma_wait3A_567, %dma_wait3A_570, %dma_wait3A_571] : memref<16x4x64x128xf32, #tpu.memory_space<vmem_shared>> -> memref<1x1x64x128xf32, #tpu.memory_space<vmem_shared>>
        %dma_wait3A_573 = tpu.memref_squeeze %dma_wait3A_572 : memref<1x1x64x128xf32, #tpu.memory_space<vmem_shared>> -> memref<64x128xf32, #tpu.memory_space<vmem_shared>>
        tpu.wait_dma2 semaphore(%arg24 : memref<!tpu.dma_semaphore, #tpu.memory_space<semaphore_mem>>) src(%dma_wait3A_573 : memref<64x128xf32, #tpu.memory_space<vmem_shared>>) dst(%dma_wait3A_569 : memref<64x128xf32, #tpu.memory_space<hbm>>)
      } else {
      }
      %dma_start3A_381 = arith.constant 4 : i32
      %dma_start3A_382 = arith.constant 0 : i32
      %dma_start3A_383 = arith.constant 0 : i32
      %dma_start3A_384 = arith.constant 0 : i32
      %dma_start3A_385 = tpu.memref_slice %arg6[%dma_start3A_381, %dma_start3A_383, %dma_start3A_384] : memref<8x64x128xf32, #tpu.memory_space<vmem>> -> memref<1x64x128xf32, #tpu.memory_space<vmem>>
      %dma_start3A_386 = tpu.memref_squeeze %dma_start3A_385 : memref<1x64x128xf32, #tpu.memory_space<vmem>> -> memref<64x128xf32, #tpu.memory_space<vmem>>
      %dma_start3A_387 = arith.constant 0 : i32
      %dma_start3A_388 = arith.constant 0 : i32
      %dma_start3A_389 = tpu.memref_slice %arg7[%arg1, %dma_start3A_382, %dma_start3A_387, %dma_start3A_388] : memref<16x4x64x128xf32, #tpu.memory_space<vmem_shared>> -> memref<1x1x64x128xf32, #tpu.memory_space<vmem_shared>>
      %dma_start3A_390 = tpu.memref_squeeze %dma_start3A_389 : memref<1x1x64x128xf32, #tpu.memory_space<vmem_shared>> -> memref<64x128xf32, #tpu.memory_space<vmem_shared>>
      %dma_start3A_391 = arith.constant 0 : i32
      %dma_start3A_392 = arith.constant 0 : i32
      %dma_start3A_393 = tpu.memref_slice %arg7[%arg1, %dma_start3A_382, %dma_start3A_391, %dma_start3A_392] : memref<16x4x64x128xf32, #tpu.memory_space<vmem_shared>> -> memref<1x1x64x128xf32, #tpu.memory_space<vmem_shared>>
      %dma_start3A_394 = tpu.memref_squeeze %dma_start3A_393 : memref<1x1x64x128xf32, #tpu.memory_space<vmem_shared>> -> memref<64x128xf32, #tpu.memory_space<vmem_shared>>
      %dma_start3A_395 = arith.constant 0 : i32
      %dma_start3A_396 = arith.constant 0 : i32
      %dma_start3A_397 = tpu.memref_slice %arg6[%dma_start3A_381, %dma_start3A_395, %dma_start3A_396] : memref<8x64x128xf32, #tpu.memory_space<vmem>> -> memref<1x64x128xf32, #tpu.memory_space<vmem>>
      %dma_start3A_398 = tpu.memref_squeeze %dma_start3A_397 : memref<1x64x128xf32, #tpu.memory_space<vmem>> -> memref<64x128xf32, #tpu.memory_space<vmem>>
      tpu.enqueue_dma source(%dma_start3A_398 : memref<64x128xf32, #tpu.memory_space<vmem>>) target(%dma_start3A_394 : memref<64x128xf32, #tpu.memory_space<vmem_shared>>) target_semaphore(%arg20 : memref<!tpu.dma_semaphore, #tpu.memory_space<semaphore_mem>>)
      %ge3A_399 = arith.constant 1 : i32
      %ge3A_400 = arith.cmpi sge, %add3A_363, %ge3A_399 : i32
      %convert_element_type3A_401 = arith.extui %ge3A_400 : i1 to i32
      %cond3A_402 = arith.constant 0 : i32
      %cond3A_403 = arith.cmpi ne, %convert_element_type3A_401, %cond3A_402 : i32
      scf.if %cond3A_403 {
        %dma_wait3A_565 = arith.constant 3 : i32
        %dma_wait3A_566 = arith.constant 3 : i32
        %dma_wait3A_567 = arith.constant 0 : i32
        %dma_wait3A_568 = arith.constant 0 : i32
        %dma_wait3A_569 = tpu.memref_slice %arg6[%dma_wait3A_565, %dma_wait3A_567, %dma_wait3A_568] : memref<8x64x128xf32, #tpu.memory_space<vmem>> -> memref<1x64x128xf32, #tpu.memory_space<vmem>>
        %dma_wait3A_570 = tpu.memref_squeeze %dma_wait3A_569 : memref<1x64x128xf32, #tpu.memory_space<vmem>> -> memref<64x128xf32, #tpu.memory_space<vmem>>
        %dma_wait3A_571 = arith.constant 0 : i32
        %dma_wait3A_572 = arith.constant 0 : i32
        %dma_wait3A_573 = tpu.memref_slice %arg7[%arg1, %dma_wait3A_566, %dma_wait3A_571, %dma_wait3A_572] : memref<16x4x64x128xf32, #tpu.memory_space<vmem_shared>> -> memref<1x1x64x128xf32, #tpu.memory_space<vmem_shared>>
        %dma_wait3A_574 = tpu.memref_squeeze %dma_wait3A_573 : memref<1x1x64x128xf32, #tpu.memory_space<vmem_shared>> -> memref<64x128xf32, #tpu.memory_space<vmem_shared>>
        %dma_wait3A_575 = arith.constant 0 : i32
        %dma_wait3A_576 = arith.constant 0 : i32
        %dma_wait3A_577 = tpu.memref_slice %arg7[%arg1, %dma_wait3A_566, %dma_wait3A_575, %dma_wait3A_576] : memref<16x4x64x128xf32, #tpu.memory_space<vmem_shared>> -> memref<1x1x64x128xf32, #tpu.memory_space<vmem_shared>>
        %dma_wait3A_578 = tpu.memref_squeeze %dma_wait3A_577 : memref<1x1x64x128xf32, #tpu.memory_space<vmem_shared>> -> memref<64x128xf32, #tpu.memory_space<vmem_shared>>
        %dma_wait3A_579 = arith.constant 0 : i32
        %dma_wait3A_580 = arith.constant 0 : i32
        %dma_wait3A_581 = tpu.memref_slice %arg6[%dma_wait3A_565, %dma_wait3A_579, %dma_wait3A_580] : memref<8x64x128xf32, #tpu.memory_space<vmem>> -> memref<1x64x128xf32, #tpu.memory_space<vmem>>
        %dma_wait3A_582 = tpu.memref_squeeze %dma_wait3A_581 : memref<1x64x128xf32, #tpu.memory_space<vmem>> -> memref<64x128xf32, #tpu.memory_space<vmem>>
        tpu.wait_dma2 semaphore(%arg19 : memref<!tpu.dma_semaphore, #tpu.memory_space<semaphore_mem>>) src(%dma_wait3A_582 : memref<64x128xf32, #tpu.memory_space<vmem>>) dst(%dma_wait3A_578 : memref<64x128xf32, #tpu.memory_space<vmem_shared>>)
        %sub3A = arith.constant 1 : i32
        %sub3A_583 = arith.subi %add3A_363, %sub3A : i32
        %add3A_584 = arith.addi %mul3A_2, %sub3A_583 : i32
        %mul3A_585 = arith.constant 64 : i32
        %mul3A_586 = arith.muli %add3A_584, %mul3A_585 : i32
        %dma_start3A_587 = arith.constant 3 : i32
        %dma_start3A_588 = arith.constant 0 : i32
        %dma_start3A_589 = tpu.memref_slice %arg4[%mul3A_586, %dma_start3A_588] : memref<819200x128xf32, #tpu.memory_space<hbm>> -> memref<64x128xf32, #tpu.memory_space<hbm>>
        %dma_start3A_590 = arith.constant 0 : i32
        %dma_start3A_591 = arith.constant 0 : i32
        %dma_start3A_592 = tpu.memref_slice %arg7[%arg1, %dma_start3A_587, %dma_start3A_590, %dma_start3A_591] : memref<16x4x64x128xf32, #tpu.memory_space<vmem_shared>> -> memref<1x1x64x128xf32, #tpu.memory_space<vmem_shared>>
        %dma_start3A_593 = tpu.memref_squeeze %dma_start3A_592 : memref<1x1x64x128xf32, #tpu.memory_space<vmem_shared>> -> memref<64x128xf32, #tpu.memory_space<vmem_shared>>
        tpu.enqueue_dma source(%dma_start3A_593 : memref<64x128xf32, #tpu.memory_space<vmem_shared>>) target(%dma_start3A_589 : memref<64x128xf32, #tpu.memory_space<hbm>>) target_semaphore(%arg27 : memref<!tpu.dma_semaphore, #tpu.memory_space<semaphore_mem>>)
      } else {
      }
      %add3A_404 = arith.constant 7 : i32
      %add3A_405 = arith.addi %add3A_363, %add3A_404 : i32
      %lt3A_406 = arith.constant 400 : i32
      %lt3A_407 = arith.cmpi slt, %add3A_405, %lt3A_406 : i32
      %convert_element_type3A_408 = arith.extui %lt3A_407 : i1 to i32
      %cond3A_409 = arith.constant 0 : i32
      %cond3A_410 = arith.cmpi ne, %convert_element_type3A_408, %cond3A_409 : i32
      scf.if %cond3A_410 {
        %add3A_565 = arith.constant 7 : i32
        %add3A_566 = arith.addi %add3A_363, %add3A_565 : i32
        %jit3A = arith.constant 2 : i32
        %div3A = arith.divsi %add3A_566, %jit3A : i32
        %sign3A = arith.constant 0 : i32
        %sign3A_567 = arith.cmpi sgt, %add3A_566, %sign3A : i32
        %sign3A_568 = arith.extui %sign3A_567 : i1 to i32
        %sign3A_569 = arith.constant 0 : i32
        %sign3A_570 = arith.cmpi slt, %add3A_566, %sign3A_569 : i32
        %sign3A_571 = arith.extui %sign3A_570 : i1 to i32
        %sign3A_572 = arith.subi %sign3A_568, %sign3A_571 : i32
        %sign3A_573 = arith.constant 0 : i32
        %sign3A_574 = arith.cmpi sgt, %jit3A, %sign3A_573 : i32
        %sign3A_575 = arith.extui %sign3A_574 : i1 to i32
        %sign3A_576 = arith.constant 0 : i32
        %sign3A_577 = arith.cmpi slt, %jit3A, %sign3A_576 : i32
        %sign3A_578 = arith.extui %sign3A_577 : i1 to i32
        %sign3A_579 = arith.subi %sign3A_575, %sign3A_578 : i32
        %ne3A = arith.cmpi ne, %sign3A_572, %sign3A_579 : i32
        %rem3A = arith.remsi %add3A_566, %jit3A : i32
        %ne3A_580 = arith.constant 0 : i32
        %ne3A_581 = arith.cmpi ne, %rem3A, %ne3A_580 : i32
        %and3A = arith.andi %ne3A, %ne3A_581 : i1
        %sub3A = arith.constant 1 : i32
        %sub3A_582 = arith.subi %div3A, %sub3A : i32
        %select_n3A = arith.select %and3A, %sub3A_582, %div3A : i32
        %dma_start3A_583 = arith.constant 3 : i32
        %dma_start3A_584 = arith.constant 0 : i32
        %dma_start3A_585 = arith.constant 0 : i32
        %dma_start3A_586 = tpu.memref_slice %arg6[%dma_start3A_583, %dma_start3A_584, %dma_start3A_585] : memref<8x64x128xf32, #tpu.memory_space<vmem>> -> memref<1x64x128xf32, #tpu.memory_space<vmem>>
        %dma_start3A_587 = tpu.memref_squeeze %dma_start3A_586 : memref<1x64x128xf32, #tpu.memory_space<vmem>> -> memref<64x128xf32, #tpu.memory_space<vmem>>
        %dma_start3A_588 = arith.constant 64 : i32
        %dma_start3A_589 = tpu.memref_slice %arg5[%select_n3A, %dma_start3A_588] : memref<200x128xi32, #tpu.memory_space<vmem>> -> memref<1x64xi32, #tpu.memory_space<vmem>>
        %dma_start3A_590 = tpu.memref_squeeze %dma_start3A_589 : memref<1x64xi32, #tpu.memory_space<vmem>> -> memref<64xi32, #tpu.memory_space<vmem>>
        %dma_start3A_591 = arith.constant 0 : i32
        %dma_start3A_592 = arith.constant 0 : i32
        %dma_start3A_593 = tpu.memref_slice %arg3[%dma_start3A_591, %dma_start3A_592] : memref<100000x128xf32, #tpu.memory_space<hbm>> -> memref<100000x128xf32, #tpu.memory_space<hbm>>
        tpu.enqueue_indirect_dma source(%dma_start3A_593 : memref<100000x128xf32, #tpu.memory_space<hbm>>) target(%dma_start3A_587 : memref<64x128xf32, #tpu.memory_space<vmem>>) offsets(%dma_start3A_590 : memref<64xi32, #tpu.memory_space<vmem>>) semaphore(%arg11 : memref<!tpu.dma_semaphore, #tpu.memory_space<semaphore_mem>>)
      } else {
      }
      %mul3A_411 = arith.constant 8 : i32
      %mul3A_412 = arith.muli %scan3A_158, %mul3A_411 : i32
      %add3A_413 = arith.constant 5 : i32
      %add3A_414 = arith.addi %mul3A_412, %add3A_413 : i32
      %dma_wait3A_415 = arith.constant 0 : i32
      %dma_wait3A_416 = arith.constant 5 : i32
      %dma_wait3A_417 = arith.constant 0 : i32
      %dma_wait3A_418 = arith.constant 0 : i32
      %dma_wait3A_419 = tpu.memref_slice %arg6[%dma_wait3A_416, %dma_wait3A_417, %dma_wait3A_418] : memref<8x64x128xf32, #tpu.memory_space<vmem>> -> memref<1x64x128xf32, #tpu.memory_space<vmem>>
      %dma_wait3A_420 = tpu.memref_squeeze %dma_wait3A_419 : memref<1x64x128xf32, #tpu.memory_space<vmem>> -> memref<64x128xf32, #tpu.memory_space<vmem>>
      %dma_wait3A_421 = arith.constant 0 : i32
      %dma_wait3A_422 = tpu.memref_slice %arg5[%dma_wait3A_415, %dma_wait3A_421] : memref<200x128xi32, #tpu.memory_space<vmem>> -> memref<1x64xi32, #tpu.memory_space<vmem>>
      %dma_wait3A_423 = tpu.memref_squeeze %dma_wait3A_422 : memref<1x64xi32, #tpu.memory_space<vmem>> -> memref<64xi32, #tpu.memory_space<vmem>>
      %dma_wait3A_424 = arith.constant 0 : i32
      %dma_wait3A_425 = arith.constant 0 : i32
      %dma_wait3A_426 = tpu.memref_slice %arg3[%dma_wait3A_424, %dma_wait3A_425] : memref<100000x128xf32, #tpu.memory_space<hbm>> -> memref<100000x128xf32, #tpu.memory_space<hbm>>
      tpu.wait_indirect_dma semaphore(%arg13 : memref<!tpu.dma_semaphore, #tpu.memory_space<semaphore_mem>>) src(%dma_wait3A_426 : memref<100000x128xf32, #tpu.memory_space<hbm>>) dst(%dma_wait3A_420 : memref<64x128xf32, #tpu.memory_space<vmem>>)
      %ge3A_427 = arith.constant 4 : i32
      %ge3A_428 = arith.cmpi sge, %add3A_414, %ge3A_427 : i32
      %convert_element_type3A_429 = arith.extui %ge3A_428 : i1 to i32
      %cond3A_430 = arith.constant 0 : i32
      %cond3A_431 = arith.cmpi ne, %convert_element_type3A_429, %cond3A_430 : i32
      scf.if %cond3A_431 {
        %mul3A_565 = arith.constant 64 : i32
        %mul3A_566 = arith.muli %mul3A_2, %mul3A_565 : i32
        %dma_wait3A_567 = arith.constant 1 : i32
        %dma_wait3A_568 = arith.constant 0 : i32
        %dma_wait3A_569 = tpu.memref_slice %arg4[%mul3A_566, %dma_wait3A_568] : memref<819200x128xf32, #tpu.memory_space<hbm>> -> memref<64x128xf32, #tpu.memory_space<hbm>>
        %dma_wait3A_570 = arith.constant 0 : i32
        %dma_wait3A_571 = arith.constant 0 : i32
        %dma_wait3A_572 = tpu.memref_slice %arg7[%arg1, %dma_wait3A_567, %dma_wait3A_570, %dma_wait3A_571] : memref<16x4x64x128xf32, #tpu.memory_space<vmem_shared>> -> memref<1x1x64x128xf32, #tpu.memory_space<vmem_shared>>
        %dma_wait3A_573 = tpu.memref_squeeze %dma_wait3A_572 : memref<1x1x64x128xf32, #tpu.memory_space<vmem_shared>> -> memref<64x128xf32, #tpu.memory_space<vmem_shared>>
        tpu.wait_dma2 semaphore(%arg25 : memref<!tpu.dma_semaphore, #tpu.memory_space<semaphore_mem>>) src(%dma_wait3A_573 : memref<64x128xf32, #tpu.memory_space<vmem_shared>>) dst(%dma_wait3A_569 : memref<64x128xf32, #tpu.memory_space<hbm>>)
      } else {
      }
      %dma_start3A_432 = arith.constant 5 : i32
      %dma_start3A_433 = arith.constant 1 : i32
      %dma_start3A_434 = arith.constant 0 : i32
      %dma_start3A_435 = arith.constant 0 : i32
      %dma_start3A_436 = tpu.memref_slice %arg6[%dma_start3A_432, %dma_start3A_434, %dma_start3A_435] : memref<8x64x128xf32, #tpu.memory_space<vmem>> -> memref<1x64x128xf32, #tpu.memory_space<vmem>>
      %dma_start3A_437 = tpu.memref_squeeze %dma_start3A_436 : memref<1x64x128xf32, #tpu.memory_space<vmem>> -> memref<64x128xf32, #tpu.memory_space<vmem>>
      %dma_start3A_438 = arith.constant 0 : i32
      %dma_start3A_439 = arith.constant 0 : i32
      %dma_start3A_440 = tpu.memref_slice %arg7[%arg1, %dma_start3A_433, %dma_start3A_438, %dma_start3A_439] : memref<16x4x64x128xf32, #tpu.memory_space<vmem_shared>> -> memref<1x1x64x128xf32, #tpu.memory_space<vmem_shared>>
      %dma_start3A_441 = tpu.memref_squeeze %dma_start3A_440 : memref<1x1x64x128xf32, #tpu.memory_space<vmem_shared>> -> memref<64x128xf32, #tpu.memory_space<vmem_shared>>
      %dma_start3A_442 = arith.constant 0 : i32
      %dma_start3A_443 = arith.constant 0 : i32
      %dma_start3A_444 = tpu.memref_slice %arg7[%arg1, %dma_start3A_433, %dma_start3A_442, %dma_start3A_443] : memref<16x4x64x128xf32, #tpu.memory_space<vmem_shared>> -> memref<1x1x64x128xf32, #tpu.memory_space<vmem_shared>>
      %dma_start3A_445 = tpu.memref_squeeze %dma_start3A_444 : memref<1x1x64x128xf32, #tpu.memory_space<vmem_shared>> -> memref<64x128xf32, #tpu.memory_space<vmem_shared>>
      %dma_start3A_446 = arith.constant 0 : i32
      %dma_start3A_447 = arith.constant 0 : i32
      %dma_start3A_448 = tpu.memref_slice %arg6[%dma_start3A_432, %dma_start3A_446, %dma_start3A_447] : memref<8x64x128xf32, #tpu.memory_space<vmem>> -> memref<1x64x128xf32, #tpu.memory_space<vmem>>
      %dma_start3A_449 = tpu.memref_squeeze %dma_start3A_448 : memref<1x64x128xf32, #tpu.memory_space<vmem>> -> memref<64x128xf32, #tpu.memory_space<vmem>>
      tpu.enqueue_dma source(%dma_start3A_449 : memref<64x128xf32, #tpu.memory_space<vmem>>) target(%dma_start3A_445 : memref<64x128xf32, #tpu.memory_space<vmem_shared>>) target_semaphore(%arg21 : memref<!tpu.dma_semaphore, #tpu.memory_space<semaphore_mem>>)
      %ge3A_450 = arith.constant 1 : i32
      %ge3A_451 = arith.cmpi sge, %add3A_414, %ge3A_450 : i32
      %convert_element_type3A_452 = arith.extui %ge3A_451 : i1 to i32
      %cond3A_453 = arith.constant 0 : i32
      %cond3A_454 = arith.cmpi ne, %convert_element_type3A_452, %cond3A_453 : i32
      scf.if %cond3A_454 {
        %dma_wait3A_565 = arith.constant 4 : i32
        %dma_wait3A_566 = arith.constant 0 : i32
        %dma_wait3A_567 = arith.constant 0 : i32
        %dma_wait3A_568 = arith.constant 0 : i32
        %dma_wait3A_569 = tpu.memref_slice %arg6[%dma_wait3A_565, %dma_wait3A_567, %dma_wait3A_568] : memref<8x64x128xf32, #tpu.memory_space<vmem>> -> memref<1x64x128xf32, #tpu.memory_space<vmem>>
        %dma_wait3A_570 = tpu.memref_squeeze %dma_wait3A_569 : memref<1x64x128xf32, #tpu.memory_space<vmem>> -> memref<64x128xf32, #tpu.memory_space<vmem>>
        %dma_wait3A_571 = arith.constant 0 : i32
        %dma_wait3A_572 = arith.constant 0 : i32
        %dma_wait3A_573 = tpu.memref_slice %arg7[%arg1, %dma_wait3A_566, %dma_wait3A_571, %dma_wait3A_572] : memref<16x4x64x128xf32, #tpu.memory_space<vmem_shared>> -> memref<1x1x64x128xf32, #tpu.memory_space<vmem_shared>>
        %dma_wait3A_574 = tpu.memref_squeeze %dma_wait3A_573 : memref<1x1x64x128xf32, #tpu.memory_space<vmem_shared>> -> memref<64x128xf32, #tpu.memory_space<vmem_shared>>
        %dma_wait3A_575 = arith.constant 0 : i32
        %dma_wait3A_576 = arith.constant 0 : i32
        %dma_wait3A_577 = tpu.memref_slice %arg7[%arg1, %dma_wait3A_566, %dma_wait3A_575, %dma_wait3A_576] : memref<16x4x64x128xf32, #tpu.memory_space<vmem_shared>> -> memref<1x1x64x128xf32, #tpu.memory_space<vmem_shared>>
        %dma_wait3A_578 = tpu.memref_squeeze %dma_wait3A_577 : memref<1x1x64x128xf32, #tpu.memory_space<vmem_shared>> -> memref<64x128xf32, #tpu.memory_space<vmem_shared>>
        %dma_wait3A_579 = arith.constant 0 : i32
        %dma_wait3A_580 = arith.constant 0 : i32
        %dma_wait3A_581 = tpu.memref_slice %arg6[%dma_wait3A_565, %dma_wait3A_579, %dma_wait3A_580] : memref<8x64x128xf32, #tpu.memory_space<vmem>> -> memref<1x64x128xf32, #tpu.memory_space<vmem>>
        %dma_wait3A_582 = tpu.memref_squeeze %dma_wait3A_581 : memref<1x64x128xf32, #tpu.memory_space<vmem>> -> memref<64x128xf32, #tpu.memory_space<vmem>>
        tpu.wait_dma2 semaphore(%arg20 : memref<!tpu.dma_semaphore, #tpu.memory_space<semaphore_mem>>) src(%dma_wait3A_582 : memref<64x128xf32, #tpu.memory_space<vmem>>) dst(%dma_wait3A_578 : memref<64x128xf32, #tpu.memory_space<vmem_shared>>)
        %sub3A = arith.constant 1 : i32
        %sub3A_583 = arith.subi %add3A_414, %sub3A : i32
        %add3A_584 = arith.addi %mul3A_2, %sub3A_583 : i32
        %mul3A_585 = arith.constant 64 : i32
        %mul3A_586 = arith.muli %add3A_584, %mul3A_585 : i32
        %dma_start3A_587 = arith.constant 0 : i32
        %dma_start3A_588 = arith.constant 0 : i32
        %dma_start3A_589 = tpu.memref_slice %arg4[%mul3A_586, %dma_start3A_588] : memref<819200x128xf32, #tpu.memory_space<hbm>> -> memref<64x128xf32, #tpu.memory_space<hbm>>
        %dma_start3A_590 = arith.constant 0 : i32
        %dma_start3A_591 = arith.constant 0 : i32
        %dma_start3A_592 = tpu.memref_slice %arg7[%arg1, %dma_start3A_587, %dma_start3A_590, %dma_start3A_591] : memref<16x4x64x128xf32, #tpu.memory_space<vmem_shared>> -> memref<1x1x64x128xf32, #tpu.memory_space<vmem_shared>>
        %dma_start3A_593 = tpu.memref_squeeze %dma_start3A_592 : memref<1x1x64x128xf32, #tpu.memory_space<vmem_shared>> -> memref<64x128xf32, #tpu.memory_space<vmem_shared>>
        tpu.enqueue_dma source(%dma_start3A_593 : memref<64x128xf32, #tpu.memory_space<vmem_shared>>) target(%dma_start3A_589 : memref<64x128xf32, #tpu.memory_space<hbm>>) target_semaphore(%arg24 : memref<!tpu.dma_semaphore, #tpu.memory_space<semaphore_mem>>)
      } else {
      }
      %add3A_455 = arith.constant 7 : i32
      %add3A_456 = arith.addi %add3A_414, %add3A_455 : i32
      %lt3A_457 = arith.constant 400 : i32
      %lt3A_458 = arith.cmpi slt, %add3A_456, %lt3A_457 : i32
      %convert_element_type3A_459 = arith.extui %lt3A_458 : i1 to i32
      %cond3A_460 = arith.constant 0 : i32
      %cond3A_461 = arith.cmpi ne, %convert_element_type3A_459, %cond3A_460 : i32
      scf.if %cond3A_461 {
        %add3A_565 = arith.constant 7 : i32
        %add3A_566 = arith.addi %add3A_414, %add3A_565 : i32
        %jit3A = arith.constant 2 : i32
        %div3A = arith.divsi %add3A_566, %jit3A : i32
        %sign3A = arith.constant 0 : i32
        %sign3A_567 = arith.cmpi sgt, %add3A_566, %sign3A : i32
        %sign3A_568 = arith.extui %sign3A_567 : i1 to i32
        %sign3A_569 = arith.constant 0 : i32
        %sign3A_570 = arith.cmpi slt, %add3A_566, %sign3A_569 : i32
        %sign3A_571 = arith.extui %sign3A_570 : i1 to i32
        %sign3A_572 = arith.subi %sign3A_568, %sign3A_571 : i32
        %sign3A_573 = arith.constant 0 : i32
        %sign3A_574 = arith.cmpi sgt, %jit3A, %sign3A_573 : i32
        %sign3A_575 = arith.extui %sign3A_574 : i1 to i32
        %sign3A_576 = arith.constant 0 : i32
        %sign3A_577 = arith.cmpi slt, %jit3A, %sign3A_576 : i32
        %sign3A_578 = arith.extui %sign3A_577 : i1 to i32
        %sign3A_579 = arith.subi %sign3A_575, %sign3A_578 : i32
        %ne3A = arith.cmpi ne, %sign3A_572, %sign3A_579 : i32
        %rem3A = arith.remsi %add3A_566, %jit3A : i32
        %ne3A_580 = arith.constant 0 : i32
        %ne3A_581 = arith.cmpi ne, %rem3A, %ne3A_580 : i32
        %and3A = arith.andi %ne3A, %ne3A_581 : i1
        %sub3A = arith.constant 1 : i32
        %sub3A_582 = arith.subi %div3A, %sub3A : i32
        %select_n3A = arith.select %and3A, %sub3A_582, %div3A : i32
        %dma_start3A_583 = arith.constant 4 : i32
        %dma_start3A_584 = arith.constant 0 : i32
        %dma_start3A_585 = arith.constant 0 : i32
        %dma_start3A_586 = tpu.memref_slice %arg6[%dma_start3A_583, %dma_start3A_584, %dma_start3A_585] : memref<8x64x128xf32, #tpu.memory_space<vmem>> -> memref<1x64x128xf32, #tpu.memory_space<vmem>>
        %dma_start3A_587 = tpu.memref_squeeze %dma_start3A_586 : memref<1x64x128xf32, #tpu.memory_space<vmem>> -> memref<64x128xf32, #tpu.memory_space<vmem>>
        %dma_start3A_588 = arith.constant 0 : i32
        %dma_start3A_589 = tpu.memref_slice %arg5[%select_n3A, %dma_start3A_588] : memref<200x128xi32, #tpu.memory_space<vmem>> -> memref<1x64xi32, #tpu.memory_space<vmem>>
        %dma_start3A_590 = tpu.memref_squeeze %dma_start3A_589 : memref<1x64xi32, #tpu.memory_space<vmem>> -> memref<64xi32, #tpu.memory_space<vmem>>
        %dma_start3A_591 = arith.constant 0 : i32
        %dma_start3A_592 = arith.constant 0 : i32
        %dma_start3A_593 = tpu.memref_slice %arg3[%dma_start3A_591, %dma_start3A_592] : memref<100000x128xf32, #tpu.memory_space<hbm>> -> memref<100000x128xf32, #tpu.memory_space<hbm>>
        tpu.enqueue_indirect_dma source(%dma_start3A_593 : memref<100000x128xf32, #tpu.memory_space<hbm>>) target(%dma_start3A_587 : memref<64x128xf32, #tpu.memory_space<vmem>>) offsets(%dma_start3A_590 : memref<64xi32, #tpu.memory_space<vmem>>) semaphore(%arg12 : memref<!tpu.dma_semaphore, #tpu.memory_space<semaphore_mem>>)
      } else {
      }
      %mul3A_462 = arith.constant 8 : i32
      %mul3A_463 = arith.muli %scan3A_158, %mul3A_462 : i32
      %add3A_464 = arith.constant 6 : i32
      %add3A_465 = arith.addi %mul3A_463, %add3A_464 : i32
      %dma_wait3A_466 = arith.constant 0 : i32
      %dma_wait3A_467 = arith.constant 6 : i32
      %dma_wait3A_468 = arith.constant 0 : i32
      %dma_wait3A_469 = arith.constant 0 : i32
      %dma_wait3A_470 = tpu.memref_slice %arg6[%dma_wait3A_467, %dma_wait3A_468, %dma_wait3A_469] : memref<8x64x128xf32, #tpu.memory_space<vmem>> -> memref<1x64x128xf32, #tpu.memory_space<vmem>>
      %dma_wait3A_471 = tpu.memref_squeeze %dma_wait3A_470 : memref<1x64x128xf32, #tpu.memory_space<vmem>> -> memref<64x128xf32, #tpu.memory_space<vmem>>
      %dma_wait3A_472 = arith.constant 0 : i32
      %dma_wait3A_473 = tpu.memref_slice %arg5[%dma_wait3A_466, %dma_wait3A_472] : memref<200x128xi32, #tpu.memory_space<vmem>> -> memref<1x64xi32, #tpu.memory_space<vmem>>
      %dma_wait3A_474 = tpu.memref_squeeze %dma_wait3A_473 : memref<1x64xi32, #tpu.memory_space<vmem>> -> memref<64xi32, #tpu.memory_space<vmem>>
      %dma_wait3A_475 = arith.constant 0 : i32
      %dma_wait3A_476 = arith.constant 0 : i32
      %dma_wait3A_477 = tpu.memref_slice %arg3[%dma_wait3A_475, %dma_wait3A_476] : memref<100000x128xf32, #tpu.memory_space<hbm>> -> memref<100000x128xf32, #tpu.memory_space<hbm>>
      tpu.wait_indirect_dma semaphore(%arg14 : memref<!tpu.dma_semaphore, #tpu.memory_space<semaphore_mem>>) src(%dma_wait3A_477 : memref<100000x128xf32, #tpu.memory_space<hbm>>) dst(%dma_wait3A_471 : memref<64x128xf32, #tpu.memory_space<vmem>>)
      %ge3A_478 = arith.constant 4 : i32
      %ge3A_479 = arith.cmpi sge, %add3A_465, %ge3A_478 : i32
      %convert_element_type3A_480 = arith.extui %ge3A_479 : i1 to i32
      %cond3A_481 = arith.constant 0 : i32
      %cond3A_482 = arith.cmpi ne, %convert_element_type3A_480, %cond3A_481 : i32
      scf.if %cond3A_482 {
        %mul3A_565 = arith.constant 64 : i32
        %mul3A_566 = arith.muli %mul3A_2, %mul3A_565 : i32
        %dma_wait3A_567 = arith.constant 2 : i32
        %dma_wait3A_568 = arith.constant 0 : i32
        %dma_wait3A_569 = tpu.memref_slice %arg4[%mul3A_566, %dma_wait3A_568] : memref<819200x128xf32, #tpu.memory_space<hbm>> -> memref<64x128xf32, #tpu.memory_space<hbm>>
        %dma_wait3A_570 = arith.constant 0 : i32
        %dma_wait3A_571 = arith.constant 0 : i32
        %dma_wait3A_572 = tpu.memref_slice %arg7[%arg1, %dma_wait3A_567, %dma_wait3A_570, %dma_wait3A_571] : memref<16x4x64x128xf32, #tpu.memory_space<vmem_shared>> -> memref<1x1x64x128xf32, #tpu.memory_space<vmem_shared>>
        %dma_wait3A_573 = tpu.memref_squeeze %dma_wait3A_572 : memref<1x1x64x128xf32, #tpu.memory_space<vmem_shared>> -> memref<64x128xf32, #tpu.memory_space<vmem_shared>>
        tpu.wait_dma2 semaphore(%arg26 : memref<!tpu.dma_semaphore, #tpu.memory_space<semaphore_mem>>) src(%dma_wait3A_573 : memref<64x128xf32, #tpu.memory_space<vmem_shared>>) dst(%dma_wait3A_569 : memref<64x128xf32, #tpu.memory_space<hbm>>)
      } else {
      }
      %dma_start3A_483 = arith.constant 6 : i32
      %dma_start3A_484 = arith.constant 2 : i32
      %dma_start3A_485 = arith.constant 0 : i32
      %dma_start3A_486 = arith.constant 0 : i32
      %dma_start3A_487 = tpu.memref_slice %arg6[%dma_start3A_483, %dma_start3A_485, %dma_start3A_486] : memref<8x64x128xf32, #tpu.memory_space<vmem>> -> memref<1x64x128xf32, #tpu.memory_space<vmem>>
      %dma_start3A_488 = tpu.memref_squeeze %dma_start3A_487 : memref<1x64x128xf32, #tpu.memory_space<vmem>> -> memref<64x128xf32, #tpu.memory_space<vmem>>
      %dma_start3A_489 = arith.constant 0 : i32
      %dma_start3A_490 = arith.constant 0 : i32
      %dma_start3A_491 = tpu.memref_slice %arg7[%arg1, %dma_start3A_484, %dma_start3A_489, %dma_start3A_490] : memref<16x4x64x128xf32, #tpu.memory_space<vmem_shared>> -> memref<1x1x64x128xf32, #tpu.memory_space<vmem_shared>>
      %dma_start3A_492 = tpu.memref_squeeze %dma_start3A_491 : memref<1x1x64x128xf32, #tpu.memory_space<vmem_shared>> -> memref<64x128xf32, #tpu.memory_space<vmem_shared>>
      %dma_start3A_493 = arith.constant 0 : i32
      %dma_start3A_494 = arith.constant 0 : i32
      %dma_start3A_495 = tpu.memref_slice %arg7[%arg1, %dma_start3A_484, %dma_start3A_493, %dma_start3A_494] : memref<16x4x64x128xf32, #tpu.memory_space<vmem_shared>> -> memref<1x1x64x128xf32, #tpu.memory_space<vmem_shared>>
      %dma_start3A_496 = tpu.memref_squeeze %dma_start3A_495 : memref<1x1x64x128xf32, #tpu.memory_space<vmem_shared>> -> memref<64x128xf32, #tpu.memory_space<vmem_shared>>
      %dma_start3A_497 = arith.constant 0 : i32
      %dma_start3A_498 = arith.constant 0 : i32
      %dma_start3A_499 = tpu.memref_slice %arg6[%dma_start3A_483, %dma_start3A_497, %dma_start3A_498] : memref<8x64x128xf32, #tpu.memory_space<vmem>> -> memref<1x64x128xf32, #tpu.memory_space<vmem>>
      %dma_start3A_500 = tpu.memref_squeeze %dma_start3A_499 : memref<1x64x128xf32, #tpu.memory_space<vmem>> -> memref<64x128xf32, #tpu.memory_space<vmem>>
      tpu.enqueue_dma source(%dma_start3A_500 : memref<64x128xf32, #tpu.memory_space<vmem>>) target(%dma_start3A_496 : memref<64x128xf32, #tpu.memory_space<vmem_shared>>) target_semaphore(%arg22 : memref<!tpu.dma_semaphore, #tpu.memory_space<semaphore_mem>>)
      %ge3A_501 = arith.constant 1 : i32
      %ge3A_502 = arith.cmpi sge, %add3A_465, %ge3A_501 : i32
      %convert_element_type3A_503 = arith.extui %ge3A_502 : i1 to i32
      %cond3A_504 = arith.constant 0 : i32
      %cond3A_505 = arith.cmpi ne, %convert_element_type3A_503, %cond3A_504 : i32
      scf.if %cond3A_505 {
        %dma_wait3A_565 = arith.constant 5 : i32
        %dma_wait3A_566 = arith.constant 1 : i32
        %dma_wait3A_567 = arith.constant 0 : i32
        %dma_wait3A_568 = arith.constant 0 : i32
        %dma_wait3A_569 = tpu.memref_slice %arg6[%dma_wait3A_565, %dma_wait3A_567, %dma_wait3A_568] : memref<8x64x128xf32, #tpu.memory_space<vmem>> -> memref<1x64x128xf32, #tpu.memory_space<vmem>>
        %dma_wait3A_570 = tpu.memref_squeeze %dma_wait3A_569 : memref<1x64x128xf32, #tpu.memory_space<vmem>> -> memref<64x128xf32, #tpu.memory_space<vmem>>
        %dma_wait3A_571 = arith.constant 0 : i32
        %dma_wait3A_572 = arith.constant 0 : i32
        %dma_wait3A_573 = tpu.memref_slice %arg7[%arg1, %dma_wait3A_566, %dma_wait3A_571, %dma_wait3A_572] : memref<16x4x64x128xf32, #tpu.memory_space<vmem_shared>> -> memref<1x1x64x128xf32, #tpu.memory_space<vmem_shared>>
        %dma_wait3A_574 = tpu.memref_squeeze %dma_wait3A_573 : memref<1x1x64x128xf32, #tpu.memory_space<vmem_shared>> -> memref<64x128xf32, #tpu.memory_space<vmem_shared>>
        %dma_wait3A_575 = arith.constant 0 : i32
        %dma_wait3A_576 = arith.constant 0 : i32
        %dma_wait3A_577 = tpu.memref_slice %arg7[%arg1, %dma_wait3A_566, %dma_wait3A_575, %dma_wait3A_576] : memref<16x4x64x128xf32, #tpu.memory_space<vmem_shared>> -> memref<1x1x64x128xf32, #tpu.memory_space<vmem_shared>>
        %dma_wait3A_578 = tpu.memref_squeeze %dma_wait3A_577 : memref<1x1x64x128xf32, #tpu.memory_space<vmem_shared>> -> memref<64x128xf32, #tpu.memory_space<vmem_shared>>
        %dma_wait3A_579 = arith.constant 0 : i32
        %dma_wait3A_580 = arith.constant 0 : i32
        %dma_wait3A_581 = tpu.memref_slice %arg6[%dma_wait3A_565, %dma_wait3A_579, %dma_wait3A_580] : memref<8x64x128xf32, #tpu.memory_space<vmem>> -> memref<1x64x128xf32, #tpu.memory_space<vmem>>
        %dma_wait3A_582 = tpu.memref_squeeze %dma_wait3A_581 : memref<1x64x128xf32, #tpu.memory_space<vmem>> -> memref<64x128xf32, #tpu.memory_space<vmem>>
        tpu.wait_dma2 semaphore(%arg21 : memref<!tpu.dma_semaphore, #tpu.memory_space<semaphore_mem>>) src(%dma_wait3A_582 : memref<64x128xf32, #tpu.memory_space<vmem>>) dst(%dma_wait3A_578 : memref<64x128xf32, #tpu.memory_space<vmem_shared>>)
        %sub3A = arith.constant 1 : i32
        %sub3A_583 = arith.subi %add3A_465, %sub3A : i32
        %add3A_584 = arith.addi %mul3A_2, %sub3A_583 : i32
        %mul3A_585 = arith.constant 64 : i32
        %mul3A_586 = arith.muli %add3A_584, %mul3A_585 : i32
        %dma_start3A_587 = arith.constant 1 : i32
        %dma_start3A_588 = arith.constant 0 : i32
        %dma_start3A_589 = tpu.memref_slice %arg4[%mul3A_586, %dma_start3A_588] : memref<819200x128xf32, #tpu.memory_space<hbm>> -> memref<64x128xf32, #tpu.memory_space<hbm>>
        %dma_start3A_590 = arith.constant 0 : i32
        %dma_start3A_591 = arith.constant 0 : i32
        %dma_start3A_592 = tpu.memref_slice %arg7[%arg1, %dma_start3A_587, %dma_start3A_590, %dma_start3A_591] : memref<16x4x64x128xf32, #tpu.memory_space<vmem_shared>> -> memref<1x1x64x128xf32, #tpu.memory_space<vmem_shared>>
        %dma_start3A_593 = tpu.memref_squeeze %dma_start3A_592 : memref<1x1x64x128xf32, #tpu.memory_space<vmem_shared>> -> memref<64x128xf32, #tpu.memory_space<vmem_shared>>
        tpu.enqueue_dma source(%dma_start3A_593 : memref<64x128xf32, #tpu.memory_space<vmem_shared>>) target(%dma_start3A_589 : memref<64x128xf32, #tpu.memory_space<hbm>>) target_semaphore(%arg25 : memref<!tpu.dma_semaphore, #tpu.memory_space<semaphore_mem>>)
      } else {
      }
      %add3A_506 = arith.constant 7 : i32
      %add3A_507 = arith.addi %add3A_465, %add3A_506 : i32
      %lt3A_508 = arith.constant 400 : i32
      %lt3A_509 = arith.cmpi slt, %add3A_507, %lt3A_508 : i32
      %convert_element_type3A_510 = arith.extui %lt3A_509 : i1 to i32
      %cond3A_511 = arith.constant 0 : i32
      %cond3A_512 = arith.cmpi ne, %convert_element_type3A_510, %cond3A_511 : i32
      scf.if %cond3A_512 {
        %add3A_565 = arith.constant 7 : i32
        %add3A_566 = arith.addi %add3A_465, %add3A_565 : i32
        %jit3A = arith.constant 2 : i32
        %div3A = arith.divsi %add3A_566, %jit3A : i32
        %sign3A = arith.constant 0 : i32
        %sign3A_567 = arith.cmpi sgt, %add3A_566, %sign3A : i32
        %sign3A_568 = arith.extui %sign3A_567 : i1 to i32
        %sign3A_569 = arith.constant 0 : i32
        %sign3A_570 = arith.cmpi slt, %add3A_566, %sign3A_569 : i32
        %sign3A_571 = arith.extui %sign3A_570 : i1 to i32
        %sign3A_572 = arith.subi %sign3A_568, %sign3A_571 : i32
        %sign3A_573 = arith.constant 0 : i32
        %sign3A_574 = arith.cmpi sgt, %jit3A, %sign3A_573 : i32
        %sign3A_575 = arith.extui %sign3A_574 : i1 to i32
        %sign3A_576 = arith.constant 0 : i32
        %sign3A_577 = arith.cmpi slt, %jit3A, %sign3A_576 : i32
        %sign3A_578 = arith.extui %sign3A_577 : i1 to i32
        %sign3A_579 = arith.subi %sign3A_575, %sign3A_578 : i32
        %ne3A = arith.cmpi ne, %sign3A_572, %sign3A_579 : i32
        %rem3A = arith.remsi %add3A_566, %jit3A : i32
        %ne3A_580 = arith.constant 0 : i32
        %ne3A_581 = arith.cmpi ne, %rem3A, %ne3A_580 : i32
        %and3A = arith.andi %ne3A, %ne3A_581 : i1
        %sub3A = arith.constant 1 : i32
        %sub3A_582 = arith.subi %div3A, %sub3A : i32
        %select_n3A = arith.select %and3A, %sub3A_582, %div3A : i32
        %dma_start3A_583 = arith.constant 5 : i32
        %dma_start3A_584 = arith.constant 0 : i32
        %dma_start3A_585 = arith.constant 0 : i32
        %dma_start3A_586 = tpu.memref_slice %arg6[%dma_start3A_583, %dma_start3A_584, %dma_start3A_585] : memref<8x64x128xf32, #tpu.memory_space<vmem>> -> memref<1x64x128xf32, #tpu.memory_space<vmem>>
        %dma_start3A_587 = tpu.memref_squeeze %dma_start3A_586 : memref<1x64x128xf32, #tpu.memory_space<vmem>> -> memref<64x128xf32, #tpu.memory_space<vmem>>
        %dma_start3A_588 = arith.constant 64 : i32
        %dma_start3A_589 = tpu.memref_slice %arg5[%select_n3A, %dma_start3A_588] : memref<200x128xi32, #tpu.memory_space<vmem>> -> memref<1x64xi32, #tpu.memory_space<vmem>>
        %dma_start3A_590 = tpu.memref_squeeze %dma_start3A_589 : memref<1x64xi32, #tpu.memory_space<vmem>> -> memref<64xi32, #tpu.memory_space<vmem>>
        %dma_start3A_591 = arith.constant 0 : i32
        %dma_start3A_592 = arith.constant 0 : i32
        %dma_start3A_593 = tpu.memref_slice %arg3[%dma_start3A_591, %dma_start3A_592] : memref<100000x128xf32, #tpu.memory_space<hbm>> -> memref<100000x128xf32, #tpu.memory_space<hbm>>
        tpu.enqueue_indirect_dma source(%dma_start3A_593 : memref<100000x128xf32, #tpu.memory_space<hbm>>) target(%dma_start3A_587 : memref<64x128xf32, #tpu.memory_space<vmem>>) offsets(%dma_start3A_590 : memref<64xi32, #tpu.memory_space<vmem>>) semaphore(%arg13 : memref<!tpu.dma_semaphore, #tpu.memory_space<semaphore_mem>>)
      } else {
      }
      %mul3A_513 = arith.constant 8 : i32
      %mul3A_514 = arith.muli %scan3A_158, %mul3A_513 : i32
      %add3A_515 = arith.constant 7 : i32
      %add3A_516 = arith.addi %mul3A_514, %add3A_515 : i32
      %dma_wait3A_517 = arith.constant 0 : i32
      %dma_wait3A_518 = arith.constant 7 : i32
      %dma_wait3A_519 = arith.constant 0 : i32
      %dma_wait3A_520 = arith.constant 0 : i32
      %dma_wait3A_521 = tpu.memref_slice %arg6[%dma_wait3A_518, %dma_wait3A_519, %dma_wait3A_520] : memref<8x64x128xf32, #tpu.memory_space<vmem>> -> memref<1x64x128xf32, #tpu.memory_space<vmem>>
      %dma_wait3A_522 = tpu.memref_squeeze %dma_wait3A_521 : memref<1x64x128xf32, #tpu.memory_space<vmem>> -> memref<64x128xf32, #tpu.memory_space<vmem>>
      %dma_wait3A_523 = arith.constant 0 : i32
      %dma_wait3A_524 = tpu.memref_slice %arg5[%dma_wait3A_517, %dma_wait3A_523] : memref<200x128xi32, #tpu.memory_space<vmem>> -> memref<1x64xi32, #tpu.memory_space<vmem>>
      %dma_wait3A_525 = tpu.memref_squeeze %dma_wait3A_524 : memref<1x64xi32, #tpu.memory_space<vmem>> -> memref<64xi32, #tpu.memory_space<vmem>>
      %dma_wait3A_526 = arith.constant 0 : i32
      %dma_wait3A_527 = arith.constant 0 : i32
      %dma_wait3A_528 = tpu.memref_slice %arg3[%dma_wait3A_526, %dma_wait3A_527] : memref<100000x128xf32, #tpu.memory_space<hbm>> -> memref<100000x128xf32, #tpu.memory_space<hbm>>
      tpu.wait_indirect_dma semaphore(%arg15 : memref<!tpu.dma_semaphore, #tpu.memory_space<semaphore_mem>>) src(%dma_wait3A_528 : memref<100000x128xf32, #tpu.memory_space<hbm>>) dst(%dma_wait3A_522 : memref<64x128xf32, #tpu.memory_space<vmem>>)
      %ge3A_529 = arith.constant 4 : i32
      %ge3A_530 = arith.cmpi sge, %add3A_516, %ge3A_529 : i32
      %convert_element_type3A_531 = arith.extui %ge3A_530 : i1 to i32
      %cond3A_532 = arith.constant 0 : i32
      %cond3A_533 = arith.cmpi ne, %convert_element_type3A_531, %cond3A_532 : i32
      scf.if %cond3A_533 {
        %mul3A_565 = arith.constant 64 : i32
        %mul3A_566 = arith.muli %mul3A_2, %mul3A_565 : i32
        %dma_wait3A_567 = arith.constant 3 : i32
        %dma_wait3A_568 = arith.constant 0 : i32
        %dma_wait3A_569 = tpu.memref_slice %arg4[%mul3A_566, %dma_wait3A_568] : memref<819200x128xf32, #tpu.memory_space<hbm>> -> memref<64x128xf32, #tpu.memory_space<hbm>>
        %dma_wait3A_570 = arith.constant 0 : i32
        %dma_wait3A_571 = arith.constant 0 : i32
        %dma_wait3A_572 = tpu.memref_slice %arg7[%arg1, %dma_wait3A_567, %dma_wait3A_570, %dma_wait3A_571] : memref<16x4x64x128xf32, #tpu.memory_space<vmem_shared>> -> memref<1x1x64x128xf32, #tpu.memory_space<vmem_shared>>
        %dma_wait3A_573 = tpu.memref_squeeze %dma_wait3A_572 : memref<1x1x64x128xf32, #tpu.memory_space<vmem_shared>> -> memref<64x128xf32, #tpu.memory_space<vmem_shared>>
        tpu.wait_dma2 semaphore(%arg27 : memref<!tpu.dma_semaphore, #tpu.memory_space<semaphore_mem>>) src(%dma_wait3A_573 : memref<64x128xf32, #tpu.memory_space<vmem_shared>>) dst(%dma_wait3A_569 : memref<64x128xf32, #tpu.memory_space<hbm>>)
      } else {
      }
      %dma_start3A_534 = arith.constant 7 : i32
      %dma_start3A_535 = arith.constant 3 : i32
      %dma_start3A_536 = arith.constant 0 : i32
      %dma_start3A_537 = arith.constant 0 : i32
      %dma_start3A_538 = tpu.memref_slice %arg6[%dma_start3A_534, %dma_start3A_536, %dma_start3A_537] : memref<8x64x128xf32, #tpu.memory_space<vmem>> -> memref<1x64x128xf32, #tpu.memory_space<vmem>>
      %dma_start3A_539 = tpu.memref_squeeze %dma_start3A_538 : memref<1x64x128xf32, #tpu.memory_space<vmem>> -> memref<64x128xf32, #tpu.memory_space<vmem>>
      %dma_start3A_540 = arith.constant 0 : i32
      %dma_start3A_541 = arith.constant 0 : i32
      %dma_start3A_542 = tpu.memref_slice %arg7[%arg1, %dma_start3A_535, %dma_start3A_540, %dma_start3A_541] : memref<16x4x64x128xf32, #tpu.memory_space<vmem_shared>> -> memref<1x1x64x128xf32, #tpu.memory_space<vmem_shared>>
      %dma_start3A_543 = tpu.memref_squeeze %dma_start3A_542 : memref<1x1x64x128xf32, #tpu.memory_space<vmem_shared>> -> memref<64x128xf32, #tpu.memory_space<vmem_shared>>
      %dma_start3A_544 = arith.constant 0 : i32
      %dma_start3A_545 = arith.constant 0 : i32
      %dma_start3A_546 = tpu.memref_slice %arg7[%arg1, %dma_start3A_535, %dma_start3A_544, %dma_start3A_545] : memref<16x4x64x128xf32, #tpu.memory_space<vmem_shared>> -> memref<1x1x64x128xf32, #tpu.memory_space<vmem_shared>>
      %dma_start3A_547 = tpu.memref_squeeze %dma_start3A_546 : memref<1x1x64x128xf32, #tpu.memory_space<vmem_shared>> -> memref<64x128xf32, #tpu.memory_space<vmem_shared>>
      %dma_start3A_548 = arith.constant 0 : i32
      %dma_start3A_549 = arith.constant 0 : i32
      %dma_start3A_550 = tpu.memref_slice %arg6[%dma_start3A_534, %dma_start3A_548, %dma_start3A_549] : memref<8x64x128xf32, #tpu.memory_space<vmem>> -> memref<1x64x128xf32, #tpu.memory_space<vmem>>
      %dma_start3A_551 = tpu.memref_squeeze %dma_start3A_550 : memref<1x64x128xf32, #tpu.memory_space<vmem>> -> memref<64x128xf32, #tpu.memory_space<vmem>>
      tpu.enqueue_dma source(%dma_start3A_551 : memref<64x128xf32, #tpu.memory_space<vmem>>) target(%dma_start3A_547 : memref<64x128xf32, #tpu.memory_space<vmem_shared>>) target_semaphore(%arg23 : memref<!tpu.dma_semaphore, #tpu.memory_space<semaphore_mem>>)
      %ge3A_552 = arith.constant 1 : i32
      %ge3A_553 = arith.cmpi sge, %add3A_516, %ge3A_552 : i32
      %convert_element_type3A_554 = arith.extui %ge3A_553 : i1 to i32
      %cond3A_555 = arith.constant 0 : i32
      %cond3A_556 = arith.cmpi ne, %convert_element_type3A_554, %cond3A_555 : i32
      scf.if %cond3A_556 {
        %dma_wait3A_565 = arith.constant 6 : i32
        %dma_wait3A_566 = arith.constant 2 : i32
        %dma_wait3A_567 = arith.constant 0 : i32
        %dma_wait3A_568 = arith.constant 0 : i32
        %dma_wait3A_569 = tpu.memref_slice %arg6[%dma_wait3A_565, %dma_wait3A_567, %dma_wait3A_568] : memref<8x64x128xf32, #tpu.memory_space<vmem>> -> memref<1x64x128xf32, #tpu.memory_space<vmem>>
        %dma_wait3A_570 = tpu.memref_squeeze %dma_wait3A_569 : memref<1x64x128xf32, #tpu.memory_space<vmem>> -> memref<64x128xf32, #tpu.memory_space<vmem>>
        %dma_wait3A_571 = arith.constant 0 : i32
        %dma_wait3A_572 = arith.constant 0 : i32
        %dma_wait3A_573 = tpu.memref_slice %arg7[%arg1, %dma_wait3A_566, %dma_wait3A_571, %dma_wait3A_572] : memref<16x4x64x128xf32, #tpu.memory_space<vmem_shared>> -> memref<1x1x64x128xf32, #tpu.memory_space<vmem_shared>>
        %dma_wait3A_574 = tpu.memref_squeeze %dma_wait3A_573 : memref<1x1x64x128xf32, #tpu.memory_space<vmem_shared>> -> memref<64x128xf32, #tpu.memory_space<vmem_shared>>
        %dma_wait3A_575 = arith.constant 0 : i32
        %dma_wait3A_576 = arith.constant 0 : i32
        %dma_wait3A_577 = tpu.memref_slice %arg7[%arg1, %dma_wait3A_566, %dma_wait3A_575, %dma_wait3A_576] : memref<16x4x64x128xf32, #tpu.memory_space<vmem_shared>> -> memref<1x1x64x128xf32, #tpu.memory_space<vmem_shared>>
        %dma_wait3A_578 = tpu.memref_squeeze %dma_wait3A_577 : memref<1x1x64x128xf32, #tpu.memory_space<vmem_shared>> -> memref<64x128xf32, #tpu.memory_space<vmem_shared>>
        %dma_wait3A_579 = arith.constant 0 : i32
        %dma_wait3A_580 = arith.constant 0 : i32
        %dma_wait3A_581 = tpu.memref_slice %arg6[%dma_wait3A_565, %dma_wait3A_579, %dma_wait3A_580] : memref<8x64x128xf32, #tpu.memory_space<vmem>> -> memref<1x64x128xf32, #tpu.memory_space<vmem>>
        %dma_wait3A_582 = tpu.memref_squeeze %dma_wait3A_581 : memref<1x64x128xf32, #tpu.memory_space<vmem>> -> memref<64x128xf32, #tpu.memory_space<vmem>>
        tpu.wait_dma2 semaphore(%arg22 : memref<!tpu.dma_semaphore, #tpu.memory_space<semaphore_mem>>) src(%dma_wait3A_582 : memref<64x128xf32, #tpu.memory_space<vmem>>) dst(%dma_wait3A_578 : memref<64x128xf32, #tpu.memory_space<vmem_shared>>)
        %sub3A = arith.constant 1 : i32
        %sub3A_583 = arith.subi %add3A_516, %sub3A : i32
        %add3A_584 = arith.addi %mul3A_2, %sub3A_583 : i32
        %mul3A_585 = arith.constant 64 : i32
        %mul3A_586 = arith.muli %add3A_584, %mul3A_585 : i32
        %dma_start3A_587 = arith.constant 2 : i32
        %dma_start3A_588 = arith.constant 0 : i32
        %dma_start3A_589 = tpu.memref_slice %arg4[%mul3A_586, %dma_start3A_588] : memref<819200x128xf32, #tpu.memory_space<hbm>> -> memref<64x128xf32, #tpu.memory_space<hbm>>
        %dma_start3A_590 = arith.constant 0 : i32
        %dma_start3A_591 = arith.constant 0 : i32
        %dma_start3A_592 = tpu.memref_slice %arg7[%arg1, %dma_start3A_587, %dma_start3A_590, %dma_start3A_591] : memref<16x4x64x128xf32, #tpu.memory_space<vmem_shared>> -> memref<1x1x64x128xf32, #tpu.memory_space<vmem_shared>>
        %dma_start3A_593 = tpu.memref_squeeze %dma_start3A_592 : memref<1x1x64x128xf32, #tpu.memory_space<vmem_shared>> -> memref<64x128xf32, #tpu.memory_space<vmem_shared>>
        tpu.enqueue_dma source(%dma_start3A_593 : memref<64x128xf32, #tpu.memory_space<vmem_shared>>) target(%dma_start3A_589 : memref<64x128xf32, #tpu.memory_space<hbm>>) target_semaphore(%arg26 : memref<!tpu.dma_semaphore, #tpu.memory_space<semaphore_mem>>)
      } else {
      }
      %add3A_557 = arith.constant 7 : i32
      %add3A_558 = arith.addi %add3A_516, %add3A_557 : i32
      %lt3A_559 = arith.constant 400 : i32
      %lt3A_560 = arith.cmpi slt, %add3A_558, %lt3A_559 : i32
      %convert_element_type3A_561 = arith.extui %lt3A_560 : i1 to i32
      %cond3A_562 = arith.constant 0 : i32
      %cond3A_563 = arith.cmpi ne, %convert_element_type3A_561, %cond3A_562 : i32
      scf.if %cond3A_563 {
        %add3A_565 = arith.constant 7 : i32
        %add3A_566 = arith.addi %add3A_516, %add3A_565 : i32
        %jit3A = arith.constant 2 : i32
        %div3A = arith.divsi %add3A_566, %jit3A : i32
        %sign3A = arith.constant 0 : i32
        %sign3A_567 = arith.cmpi sgt, %add3A_566, %sign3A : i32
        %sign3A_568 = arith.extui %sign3A_567 : i1 to i32
        %sign3A_569 = arith.constant 0 : i32
        %sign3A_570 = arith.cmpi slt, %add3A_566, %sign3A_569 : i32
        %sign3A_571 = arith.extui %sign3A_570 : i1 to i32
        %sign3A_572 = arith.subi %sign3A_568, %sign3A_571 : i32
        %sign3A_573 = arith.constant 0 : i32
        %sign3A_574 = arith.cmpi sgt, %jit3A, %sign3A_573 : i32
        %sign3A_575 = arith.extui %sign3A_574 : i1 to i32
        %sign3A_576 = arith.constant 0 : i32
        %sign3A_577 = arith.cmpi slt, %jit3A, %sign3A_576 : i32
        %sign3A_578 = arith.extui %sign3A_577 : i1 to i32
        %sign3A_579 = arith.subi %sign3A_575, %sign3A_578 : i32
        %ne3A = arith.cmpi ne, %sign3A_572, %sign3A_579 : i32
        %rem3A = arith.remsi %add3A_566, %jit3A : i32
        %ne3A_580 = arith.constant 0 : i32
        %ne3A_581 = arith.cmpi ne, %rem3A, %ne3A_580 : i32
        %and3A = arith.andi %ne3A, %ne3A_581 : i1
        %sub3A = arith.constant 1 : i32
        %sub3A_582 = arith.subi %div3A, %sub3A : i32
        %select_n3A = arith.select %and3A, %sub3A_582, %div3A : i32
        %dma_start3A_583 = arith.constant 6 : i32
        %dma_start3A_584 = arith.constant 0 : i32
        %dma_start3A_585 = arith.constant 0 : i32
        %dma_start3A_586 = tpu.memref_slice %arg6[%dma_start3A_583, %dma_start3A_584, %dma_start3A_585] : memref<8x64x128xf32, #tpu.memory_space<vmem>> -> memref<1x64x128xf32, #tpu.memory_space<vmem>>
        %dma_start3A_587 = tpu.memref_squeeze %dma_start3A_586 : memref<1x64x128xf32, #tpu.memory_space<vmem>> -> memref<64x128xf32, #tpu.memory_space<vmem>>
        %dma_start3A_588 = arith.constant 0 : i32
        %dma_start3A_589 = tpu.memref_slice %arg5[%select_n3A, %dma_start3A_588] : memref<200x128xi32, #tpu.memory_space<vmem>> -> memref<1x64xi32, #tpu.memory_space<vmem>>
        %dma_start3A_590 = tpu.memref_squeeze %dma_start3A_589 : memref<1x64xi32, #tpu.memory_space<vmem>> -> memref<64xi32, #tpu.memory_space<vmem>>
        %dma_start3A_591 = arith.constant 0 : i32
        %dma_start3A_592 = arith.constant 0 : i32
        %dma_start3A_593 = tpu.memref_slice %arg3[%dma_start3A_591, %dma_start3A_592] : memref<100000x128xf32, #tpu.memory_space<hbm>> -> memref<100000x128xf32, #tpu.memory_space<hbm>>
        tpu.enqueue_indirect_dma source(%dma_start3A_593 : memref<100000x128xf32, #tpu.memory_space<hbm>>) target(%dma_start3A_587 : memref<64x128xf32, #tpu.memory_space<vmem>>) offsets(%dma_start3A_590 : memref<64xi32, #tpu.memory_space<vmem>>) semaphore(%arg14 : memref<!tpu.dma_semaphore, #tpu.memory_space<semaphore_mem>>)
      } else {
      }
      %scan3A_564 = arith.constant 0 : i32
      scf.yield %scan3A_564 : i32
    }
    %scan3A_93 = arith.constant 50 : i32
    %dma_wait3A = arith.constant 7 : i32
    %dma_wait3A_94 = arith.constant 3 : i32
    %dma_wait3A_95 = arith.constant 0 : i32
    %dma_wait3A_96 = arith.constant 0 : i32
    %dma_wait3A_97 = tpu.memref_slice %arg6[%dma_wait3A, %dma_wait3A_95, %dma_wait3A_96] : memref<8x64x128xf32, #tpu.memory_space<vmem>> -> memref<1x64x128xf32, #tpu.memory_space<vmem>>
    %dma_wait3A_98 = tpu.memref_squeeze %dma_wait3A_97 : memref<1x64x128xf32, #tpu.memory_space<vmem>> -> memref<64x128xf32, #tpu.memory_space<vmem>>
    %dma_wait3A_99 = arith.constant 0 : i32
    %dma_wait3A_100 = arith.constant 0 : i32
    %dma_wait3A_101 = tpu.memref_slice %arg7[%arg1, %dma_wait3A_94, %dma_wait3A_99, %dma_wait3A_100] : memref<16x4x64x128xf32, #tpu.memory_space<vmem_shared>> -> memref<1x1x64x128xf32, #tpu.memory_space<vmem_shared>>
    %dma_wait3A_102 = tpu.memref_squeeze %dma_wait3A_101 : memref<1x1x64x128xf32, #tpu.memory_space<vmem_shared>> -> memref<64x128xf32, #tpu.memory_space<vmem_shared>>
    %dma_wait3A_103 = arith.constant 0 : i32
    %dma_wait3A_104 = arith.constant 0 : i32
    %dma_wait3A_105 = tpu.memref_slice %arg7[%arg1, %dma_wait3A_94, %dma_wait3A_103, %dma_wait3A_104] : memref<16x4x64x128xf32, #tpu.memory_space<vmem_shared>> -> memref<1x1x64x128xf32, #tpu.memory_space<vmem_shared>>
    %dma_wait3A_106 = tpu.memref_squeeze %dma_wait3A_105 : memref<1x1x64x128xf32, #tpu.memory_space<vmem_shared>> -> memref<64x128xf32, #tpu.memory_space<vmem_shared>>
    %dma_wait3A_107 = arith.constant 0 : i32
    %dma_wait3A_108 = arith.constant 0 : i32
    %dma_wait3A_109 = tpu.memref_slice %arg6[%dma_wait3A, %dma_wait3A_107, %dma_wait3A_108] : memref<8x64x128xf32, #tpu.memory_space<vmem>> -> memref<1x64x128xf32, #tpu.memory_space<vmem>>
    %dma_wait3A_110 = tpu.memref_squeeze %dma_wait3A_109 : memref<1x64x128xf32, #tpu.memory_space<vmem>> -> memref<64x128xf32, #tpu.memory_space<vmem>>
    tpu.wait_dma2 semaphore(%arg23 : memref<!tpu.dma_semaphore, #tpu.memory_space<semaphore_mem>>) src(%dma_wait3A_110 : memref<64x128xf32, #tpu.memory_space<vmem>>) dst(%dma_wait3A_106 : memref<64x128xf32, #tpu.memory_space<vmem_shared>>)
    %add3A_111 = arith.constant 399 : i32
    %add3A_112 = arith.addi %mul3A_2, %add3A_111 : i32
    %mul3A_113 = arith.constant 64 : i32
    %mul3A_114 = arith.muli %add3A_112, %mul3A_113 : i32
    %dma_start3A_115 = arith.constant 3 : i32
    %dma_start3A_116 = arith.constant 0 : i32
    %dma_start3A_117 = tpu.memref_slice %arg4[%mul3A_114, %dma_start3A_116] : memref<819200x128xf32, #tpu.memory_space<hbm>> -> memref<64x128xf32, #tpu.memory_space<hbm>>
    %dma_start3A_118 = arith.constant 0 : i32
    %dma_start3A_119 = arith.constant 0 : i32
    %dma_start3A_120 = tpu.memref_slice %arg7[%arg1, %dma_start3A_115, %dma_start3A_118, %dma_start3A_119] : memref<16x4x64x128xf32, #tpu.memory_space<vmem_shared>> -> memref<1x1x64x128xf32, #tpu.memory_space<vmem_shared>>
    %dma_start3A_121 = tpu.memref_squeeze %dma_start3A_120 : memref<1x1x64x128xf32, #tpu.memory_space<vmem_shared>> -> memref<64x128xf32, #tpu.memory_space<vmem_shared>>
    tpu.enqueue_dma source(%dma_start3A_121 : memref<64x128xf32, #tpu.memory_space<vmem_shared>>) target(%dma_start3A_117 : memref<64x128xf32, #tpu.memory_space<hbm>>) target_semaphore(%arg27 : memref<!tpu.dma_semaphore, #tpu.memory_space<semaphore_mem>>)
    %mul3A_122 = arith.constant 64 : i32
    %mul3A_123 = arith.muli %mul3A_2, %mul3A_122 : i32
    %dma_wait3A_124 = arith.constant 0 : i32
    %dma_wait3A_125 = arith.constant 0 : i32
    %dma_wait3A_126 = tpu.memref_slice %arg4[%mul3A_123, %dma_wait3A_125] : memref<819200x128xf32, #tpu.memory_space<hbm>> -> memref<64x128xf32, #tpu.memory_space<hbm>>
    %dma_wait3A_127 = arith.constant 0 : i32
    %dma_wait3A_128 = arith.constant 0 : i32
    %dma_wait3A_129 = tpu.memref_slice %arg7[%arg1, %dma_wait3A_124, %dma_wait3A_127, %dma_wait3A_128] : memref<16x4x64x128xf32, #tpu.memory_space<vmem_shared>> -> memref<1x1x64x128xf32, #tpu.memory_space<vmem_shared>>
    %dma_wait3A_130 = tpu.memref_squeeze %dma_wait3A_129 : memref<1x1x64x128xf32, #tpu.memory_space<vmem_shared>> -> memref<64x128xf32, #tpu.memory_space<vmem_shared>>
    tpu.wait_dma2 semaphore(%arg24 : memref<!tpu.dma_semaphore, #tpu.memory_space<semaphore_mem>>) src(%dma_wait3A_130 : memref<64x128xf32, #tpu.memory_space<vmem_shared>>) dst(%dma_wait3A_126 : memref<64x128xf32, #tpu.memory_space<hbm>>)
    %mul3A_131 = arith.constant 64 : i32
    %mul3A_132 = arith.muli %mul3A_2, %mul3A_131 : i32
    %dma_wait3A_133 = arith.constant 1 : i32
    %dma_wait3A_134 = arith.constant 0 : i32
    %dma_wait3A_135 = tpu.memref_slice %arg4[%mul3A_132, %dma_wait3A_134] : memref<819200x128xf32, #tpu.memory_space<hbm>> -> memref<64x128xf32, #tpu.memory_space<hbm>>
    %dma_wait3A_136 = arith.constant 0 : i32
    %dma_wait3A_137 = arith.constant 0 : i32
    %dma_wait3A_138 = tpu.memref_slice %arg7[%arg1, %dma_wait3A_133, %dma_wait3A_136, %dma_wait3A_137] : memref<16x4x64x128xf32, #tpu.memory_space<vmem_shared>> -> memref<1x1x64x128xf32, #tpu.memory_space<vmem_shared>>
    %dma_wait3A_139 = tpu.memref_squeeze %dma_wait3A_138 : memref<1x1x64x128xf32, #tpu.memory_space<vmem_shared>> -> memref<64x128xf32, #tpu.memory_space<vmem_shared>>
    tpu.wait_dma2 semaphore(%arg25 : memref<!tpu.dma_semaphore, #tpu.memory_space<semaphore_mem>>) src(%dma_wait3A_139 : memref<64x128xf32, #tpu.memory_space<vmem_shared>>) dst(%dma_wait3A_135 : memref<64x128xf32, #tpu.memory_space<hbm>>)
    %mul3A_140 = arith.constant 64 : i32
    %mul3A_141 = arith.muli %mul3A_2, %mul3A_140 : i32
    %dma_wait3A_142 = arith.constant 2 : i32
    %dma_wait3A_143 = arith.constant 0 : i32
    %dma_wait3A_144 = tpu.memref_slice %arg4[%mul3A_141, %dma_wait3A_143] : memref<819200x128xf32, #tpu.memory_space<hbm>> -> memref<64x128xf32, #tpu.memory_space<hbm>>
    %dma_wait3A_145 = arith.constant 0 : i32
    %dma_wait3A_146 = arith.constant 0 : i32
    %dma_wait3A_147 = tpu.memref_slice %arg7[%arg1, %dma_wait3A_142, %dma_wait3A_145, %dma_wait3A_146] : memref<16x4x64x128xf32, #tpu.memory_space<vmem_shared>> -> memref<1x1x64x128xf32, #tpu.memory_space<vmem_shared>>
    %dma_wait3A_148 = tpu.memref_squeeze %dma_wait3A_147 : memref<1x1x64x128xf32, #tpu.memory_space<vmem_shared>> -> memref<64x128xf32, #tpu.memory_space<vmem_shared>>
    tpu.wait_dma2 semaphore(%arg26 : memref<!tpu.dma_semaphore, #tpu.memory_space<semaphore_mem>>) src(%dma_wait3A_148 : memref<64x128xf32, #tpu.memory_space<vmem_shared>>) dst(%dma_wait3A_144 : memref<64x128xf32, #tpu.memory_space<hbm>>)
    %mul3A_149 = arith.constant 64 : i32
    %mul3A_150 = arith.muli %mul3A_2, %mul3A_149 : i32
    %dma_wait3A_151 = arith.constant 3 : i32
    %dma_wait3A_152 = arith.constant 0 : i32
    %dma_wait3A_153 = tpu.memref_slice %arg4[%mul3A_150, %dma_wait3A_152] : memref<819200x128xf32, #tpu.memory_space<hbm>> -> memref<64x128xf32, #tpu.memory_space<hbm>>
    %dma_wait3A_154 = arith.constant 0 : i32
    %dma_wait3A_155 = arith.constant 0 : i32
    %dma_wait3A_156 = tpu.memref_slice %arg7[%arg1, %dma_wait3A_151, %dma_wait3A_154, %dma_wait3A_155] : memref<16x4x64x128xf32, #tpu.memory_space<vmem_shared>> -> memref<1x1x64x128xf32, #tpu.memory_space<vmem_shared>>
    %dma_wait3A_157 = tpu.memref_squeeze %dma_wait3A_156 : memref<1x1x64x128xf32, #tpu.memory_space<vmem_shared>> -> memref<64x128xf32, #tpu.memory_space<vmem_shared>>
    tpu.wait_dma2 semaphore(%arg27 : memref<!tpu.dma_semaphore, #tpu.memory_space<semaphore_mem>>) src(%dma_wait3A_157 : memref<64x128xf32, #tpu.memory_space<vmem_shared>>) dst(%dma_wait3A_153 : memref<64x128xf32, #tpu.memory_space<hbm>>)
    return
  }
}

</mosaic_0001>

<sc_bundles>
// kernel: kernel.3.cloned.1.call-start
scs
__scs_entry_jumppad:
0x0: {  	(pc) =	sbr.rel $0x88, $3  }
0x1: {  	(tag) =	ssettag $0x0;
	lr =	simm.s32 $0x1  }
0x2: {  	[smem:$0x3F9F] =	sst lr;
	_ =	strace $0xD0000000  }
0x3: {  	_ = 	snop  }
0x4: {  	_ = 	snop  }
0x5: {  	_ = 	snop  }
0x6: {  	_ = 	snop  }
0x7: {  	_ = 	snop  }
__scs_overlays_trampoline_lowered:
0x8: {  	[smem:$0x3FAE] =	sst s0  }
0x9: {  	[smem:$0x3FAF] =	sst s1  }
0xa: {  	[smem:$0x3FB0] =	sst s2  }
0xb: {  	[smem:$0x3FB1] =	sst s3  }
0xc: {  	[smem:$0x3FB2] =	sst s4  }
0xd: {  	[smem:$0x3FB3] =	sst s5  }
0xe: {  	[smem:$0x3FB4] =	sst s6  }
0xf: {  	[smem:$0x3FB5] =	sst s7  }
0x10: {  	[smem:$0x3FB6] =	sst s8  }
0x11: {  	[smem:$0x3FB7] =	sst s9;
	s0 =	simm.s32 @!p0 $0x0  }
0x12: {  	s1 =	sld [smem:$0x3F9D];
	s0 =	simm.s32 @p0 $0x1  }
0x13: {  	[smem:$0x3FB8] =	sst s0;
	s0 =	simm.s32 @!p1 $0x0  }
0x14: {  	s2 =	sld [smem:$0x3F9C];
	s0 =	simm.s32 @p1 $0x1  }
0x15: {  	[smem:$0x3FB9] =	sst s0;
	s0 =	simm.s32 @!p2 $0x0  }
0x16: {  	s3 =	sld [smem:$0x3FDB];
	s0 =	simm.s32 @p2 $0x1  }
0x17: {  	s4 =	simm.s32 $0x1BF5;
	[smem:$0x3FBB] =	sst s0  }
0x18: {  	s0 =	sld [smem:$0x3F9E];
	_ =	swait.ge [sflag:s4], $0x0  }
0x19: {  	s7 =	sld [smem:$0x3F9F]  }
0x1a: {  	s8 =	sadd.s32 $0xFFFFE003, lr  }
0x1b: {  	s9 =	sadd.s32 $0xFFFFFEF7, lr;
	s5 =	simm.s32 $0xFFFFFFFF;
	p2 =	slt.u32 s8, $0xFFFFF086  }
0x1c: {  	p1 =	slt.u32 s9, $0xF7A;
	s5 =	simm.s32 @!p2 $0x0  }
0x1d: {  	s5 =	simm.s32 @p1 $0x1;
	p0 =	seq.s32 s7, s2  }
0x1e: {  	s7 =	smul.u32 @!p0 $0xF7A, s2;
	p2 =	seq.s32 @!p0 s5, $0x0  }
0x1f: {  	s9 =	smul.u32 $0xF7A, s1;
	s8 =	simm.s32 @!p0 $0x1BF5;
	p2 =	por !p2, p0  }
0x20: {  	[sflag:s8] =	ssyncset.s32 @!p0 $0xFFFFF086;
	s6 =	sadd.s32 @!p0 s3, s7;
	s7 =	simm.s32 @!p0 $0x108  }
0x21: {  	s3 =	sadd.s32 s3, s9;
	s6 =	sadd.s32 @!p0 $0x88, s6;
	s7 =	simm.s32 @p2 $0x1082  }
0x22: {  	[simem:s7], [sflag:s8] =	dma.local @!p0 [hbm:s6], $0xF7A  }
0x23: {  	s9 =	sor.u32 $0xD0000000, s2;
	s6 =	simm.s32 $0x108;
	_ =	swait.ge @!p0 [sflag:s8], $0x0  }
0x24: {  	s3 =	sadd.s32 $0x88, s3;
	s6 =	simm.s32 @!p1 $0x1082;
	[sflag:s4] =	ssyncset.s32 $0xFFFFF086  }
0x25: {  	[simem:s6], [sflag:s4] =	dma.local [hbm:s3], $0xF7A  }
0x26: {  	[smem:$0x3F9F] =	sst s1;
	(tag) =	ssettag s2;
	_ =	strace s9  }
0x27: {  	s1 =	sld [smem:$0x3FAF]  }
0x28: {  	s2 =	sld [smem:$0x3FB0]  }
0x29: {  	s4 =	sld [smem:$0x3FB2]  }
0x2a: {  	p0 =	seq.s32 s5, $0x0;
	s5 =	sld [smem:$0x3FB3]  }
0x2b: {  	s6 =	sld [smem:$0x3FB4]  }
0x2c: {  	s7 =	sld [smem:$0x3FB5]  }
0x2d: {  	s3 =	simm.s32 $0x108;
	s8 =	sld [smem:$0x3FB6]  }
0x2e: {  	s3 =	simm.s32 @!p0 $0x1082;
	s9 =	sld [smem:$0x3FB7]  }
0x2f: {  	lr =	sadd.s32 s0, s3;
	s0 =	sld [smem:$0x3FAE]  }
0x30: {  	s3 =	sld [smem:$0x3FB1]  }
0x31: {  	[smem:$0x3FBA] =	sst s10  }
0x32: {  	s10 =	sld [smem:$0x3FB8];
	_ =	sdelay $0x3  }
0x33: {  	p0 =	seq.s32 s10, $0x1;
	s10 =	sld [smem:$0x3FBA];
	_ =	sdelay $0x3  }
0x34: {  	[smem:$0x3FBA] =	sst s10  }
0x35: {  	s10 =	sld [smem:$0x3FB9];
	_ =	sdelay $0x3  }
0x36: {  	p1 =	seq.s32 s10, $0x1;
	s10 =	sld [smem:$0x3FBA];
	_ =	sdelay $0x3  }
0x37: {  	[smem:$0x3FBA] =	sst s10  }
0x38: {  	s10 =	sld [smem:$0x3FBB]  }
0x39: {  	_ = 	snop;
	(pc) =	sbr.ind lr, $3  }
0x3a: {  	_ = 	snop  }
0x3b: {  	_ = 	snop  }
0x3c: {  	p2 =	seq.s32 s10, $0x1;
	s10 =	sld [smem:$0x3FBA]  }
0x3d: {  	_ =	shalt  }
0x3e: {  	_ =	shalt  }
0x3f: {  	_ =	shalt  }
0x40: {  	_ =	shalt  }
0x41: {  	_ =	shalt  }
0x42: {  	_ =	shalt  }
0x43: {  	_ =	shalt  }
0x44: {  	_ =	shalt  }
0x45: {  	_ =	shalt  }
0x46: {  	_ =	shalt  }
0x47: {  	_ =	shalt  }
0x48: {  	_ =	shalt  }
0x49: {  	_ =	shalt  }
0x4a: {  	_ =	shalt  }
0x4b: {  	_ =	shalt  }
0x4c: {  	_ =	shalt  }
0x4d: {  	_ =	shalt  }
0x4e: {  	_ =	shalt  }
0x4f: {  	_ =	shalt  }
0x50: {  	_ =	shalt  }
0x51: {  	_ =	shalt  }
0x52: {  	_ =	shalt  }
0x53: {  	_ =	shalt  }
0x54: {  	_ =	shalt  }
0x55: {  	_ =	shalt  }
0x56: {  	_ =	shalt  }
0x57: {  	_ =	shalt  }
0x58: {  	_ =	shalt  }
0x59: {  	_ =	shalt  }
0x5a: {  	_ =	shalt  }
0x5b: {  	_ =	shalt  }
0x5c: {  	_ =	shalt  }
0x5d: {  	_ =	shalt  }
0x5e: {  	_ =	shalt  }
0x5f: {  	_ =	shalt  }
0x60: {  	_ =	shalt  }
0x61: {  	_ =	shalt  }
0x62: {  	_ =	shalt  }
0x63: {  	_ =	shalt  }
0x64: {  	_ =	shalt  }
0x65: {  	_ =	shalt  }
0x66: {  	_ =	shalt  }
0x67: {  	_ =	shalt  }
0x68: {  	_ =	shalt  }
0x69: {  	_ =	shalt  }
0x6a: {  	_ =	shalt  }
0x6b: {  	_ =	shalt  }
0x6c: {  	_ =	shalt  }
0x6d: {  	_ =	shalt  }
0x6e: {  	_ =	shalt  }
0x6f: {  	_ =	shalt  }
0x70: {  	_ =	shalt  }
0x71: {  	_ =	shalt  }
0x72: {  	_ =	shalt  }
0x73: {  	_ =	shalt  }
0x74: {  	_ =	shalt  }
0x75: {  	_ =	shalt  }
0x76: {  	_ =	shalt  }
0x77: {  	_ =	shalt  }
0x78: {  	_ =	shalt  }
0x79: {  	_ =	shalt  }
0x7a: {  	_ =	shalt  }
0x7b: {  	_ =	shalt  }
0x7c: {  	_ =	shalt  }
0x7d: {  	_ =	shalt  }
0x7e: {  	_ =	shalt  }
0x7f: {  	_ =	shalt  }
0x80: {  	_ =	shalt  }
0x81: {  	_ =	shalt  }
0x82: {  	_ =	shalt  }
0x83: {  	_ =	shalt  }
0x84: {  	_ =	shalt  }
0x85: {  	_ =	shalt  }
0x86: {  	_ =	shalt  }
0x87: {  	_ =	shalt  }
.Lfunc_end0:
.L_simem_size_0:
called_computation_lowered:
.L_overlay_start_0:
0x88: {  	s2 =	sld [smem:$0x3FD9]  }
0x89: {  	s3 =	sld [smem:$0x3FFE];
	_ =	sdelay $0x1  }
0x8a: {  	s1 =	srdreg.scid  }
0x8b: {  	s0 =	sand.u32 $0x1, s1  }
0x8c: {  	s17 =	sshll.u32 s0, $0xA;
	s2 =	sadd.s32 s3, s2  }
0x8d: {  	s2 =	sadd.s32 s2, s17  }
0x8e: {  	[smem:$0x3FC6] =	sst s2  }
0x8f: {  	_ = 	snop  }
0x90: {  	s2 =	sld [smem:$0x3FC8]  }
0x91: {  	s18 =	sld [smem:$0x3FD0];
	(tm) =	ssettm $0x1  }
0x92: {  	s4 =	sld [smem:$0x3FFB];
	_ =	sdelay $0x3  }
0x93: {  	_ =	strace s4  }
0x94: {  	s4 =	sld [smem:$0x3FFC];
	_ =	sdelay $0x3  }
0x95: {  	_ =	strace s4  }
0x96: {  	s4 =	sld [smem:$0x3FFD];
	_ =	sdelay $0x3  }
0x97: {  	_ =	strace s4  }
0x98: {  	_ =	strace $0x8FFFFFFF  }
0x99: {  	s19 =	sld [smem:$0x3FDB];
	_ =	sdelay $0x1  }
0x9a: {  	s5 =	simm.s32 $_scs_section_size  }
0x9b: {  	s6 =	simm.s32 $_size__tile_overlayer_lowered;
	s7 =	simm.s32 $_tile_overlayer_lowered  }
0x9c: {  	s22 =	simm.s32 $0x1BFF;
	s21 =	sshll.u32 s7, $0x1;
	s4 =	sadd.s32 s5, s19  }
0x9d: {  	s8 =	simm.s32 $0x0;
	s20 =	sshll.u32 s6, $0x1;
	s6 =	sadd.s32 s21, s4  }
0x9e: {  	[timem:s8], [sflag:s22] =	dma.local [hbm:s6], s20  }
0x9f: {  	_ =	swait.ge [sflag:s22], s20  }
0xa0: {  	s5 =	ssub.s32 $0x0, s20;
	[sflag:s22] =	ssyncset.done $0x0  }
0xa1: {  	[sflag:s22] =	ssyncadd.s32 s5;
	_ =	sdelay $0x1  }
0xa2: {  	s23 =	simm.s32 $0x1B8B  }
0xa3: {  	_ =	swait.ge [sflag:s23], $0x1  }
0xa4: {  	[sflag:s23] =	ssyncset.done $0x0  }
0xa5: {  	s25 =	simm.s32 $0x1B8E;
	s24 =	sld [smem:$0x3FFE];
	[sflag:s23] =	ssyncadd.s32 $0xFFFFFFFF  }
0xa6: {  	s26 =	simm.s32 $execute0_lowered;
	[smem:$0x3FD2] =	sst s25  }
0xa7: {  	s6 =	sshll.u32 s26, $0x1;
	_ =	strace $0x80000046;
	[dreg:$0x1] =	wrdreg $0xFFFFFFFF  }
0xa8: {  	s28 =	simm.s32 $_size_execute0_lowered;
	s4 =	sadd.s32 s4, s6;
	[dreg:$0x0] =	wrdreg $0x0  }
0xa9: {  	s6 =	sshll.u32 s28, $0x1;
	[dreg:$0x2] =	wrdreg s4  }
0xaa: {  	[dreg:$0x3] =	wrdreg s6  }
0xab: {  	[dreg:$0x4] =	wrdreg $0xC0  }
0xac: {  	_ =	task [dreg:s8], $0x5FFFF  }
0xad: {  	[dreg:$0x1] =	wrdreg $0xFFFFFFFF  }
0xae: {  	[dreg:$0x0] =	wrdreg $0x60  }
0xaf: {  	[dreg:$0x2] =	wrdreg s24  }
0xb0: {  	[dreg:$0x3] =	wrdreg s2  }
0xb1: {  	[dreg:$0x4] =	wrdreg s18  }
0xb2: {  	[dreg:$0x5] =	wrdreg $0x164000  }
0xb3: {  	[dreg:$0x6] =	wrdreg $0x9  }
0xb4: {  	_ =	task.clear_ibuf [dreg:s8], $0x7FFFF;
	_ =	strace $0x90000046  }
0xb5: {  	s29 =	simm.s32 $0x9;
	_ =	strace $0x80000048  }
0xb6: {  	_ =	swait.ge [sflag:s29], $0x1  }
0xb7: {  	[sflag:s29] =	ssyncadd.s32 $0xFFFFFFFF  }
0xb8: {  	_ =	strace $0x90000048  }
0xb9: {  	_ =	sfence  }
0xba: {  	s30 =	sld [smem:$0x0];
	_ =	sdelay $0x2  }
0xbb: {  	s31 =	sshll.u32 s1, $0xD;
	s1 =	sshrl.u32 s1, $0x2  }
0xbc: {  	s3 =	sand.u32 $0x4000, s31;
	s1 =	sadd.s32 s1, s30  }
0xbd: {  	s0 =	sor.u32 s3, s0;
	s1 =	sshll.u32 s1, $0x11  }
0xbe: {  	s0 =	sor.u32 s1, s0  }
0xbf: {  	s0 =	sadd.s32 $0x8F2B, s0  }
0xc0: {  	[sflag:s0] =	ssyncadd.remote.s32 $0x1  }
0xc1: {  	_ =	sfence.sel $0xFFFF  }
0xc2: {  	[dreg:$0x0] =	wrdreg $0xFFFFFFFF;
	(pc) =	sbr.abs _section_cstart, $3  }
0xc3: {  	[dreg:$0x1] =	wrdreg $0xFFFFFFFF  }
0xc4: {  	_ =	task.clear_ibuf [dreg:s8], $0x2FFFF;
	_ =	strace $0x9FFFFFFF  }
0xc5: {  	(tm) =	ssettm $0x7FFFFFFF  }
tec
execute0_lowered:
.L_overlay_start_1:
0x0: {  	(tag) =	ssettag $0x1  }
0x1: {  	s0 =	rddreg [dreg:$0x0]  }
0x2: {  	s1 =	rddreg [dreg:$0x1]  }
0x3: {  	s11 =	rddreg [dreg:$0x2];
	s2 =	srdreg.scid  }
0x4: {  	s9 =	stileid.u32;
	s3 =	rddreg [dreg:$0x3]  }
0x5: {  	s5 =	simm.s32 $0x0;
	s18 =	simm.s32 $0x40;
	s16 =	simm.s32 $0x12400  }
0x6: {  	s28 =	simm.s32 $0x12;
	s30 =	simm.s32 $0xD;
	s8 =	smul.u32 $0x320, s9  }
0x7: {  	s13 =	simm.s32 $0xF;
	s2 =	sand.u32 $0x1, s2;
	s23 =	smul.u32 $0xC8000, s9  }
0x8: {  	s4 =	sshll.u32 s9, $0x1;
	[smem:$0x7FF] =	sst s5;
	s21 =	smul.u32 $0x190, s2  }
0x9: {  	s4 =	sor.u32 s2, s4;
	s20 =	ssub.s32 $0x2, s2;
	s2 =	smul.u32 $0x64000, s2  }
0xa: {  	s7 =	sshll.u32 s9, $0xF;
	s9 =	simm.s32 $0x14;
	s19 =	smul.u32 $0xC80, s4  }
0xb: {  	_ =	strace $0x80000047;
	s5 =	sadd.s32 s7, s3;
	s4 =	smul.u32 $0x320000, s4  }
0xc: {  	s6 =	sshrl.u32 s20, $0x1;
	s7 =	sadd.s32 $0x6000, s5;
	s10 =	sadd.s32 $0x2000, s5  }
0xd: {  	s12 =	sadd.s32 $0x4000, s5;
	s6 =	ssub.s32 s20, s6;
	s3 =	sadd.s32 s21, s8  }
0xe: {  	s2 =	sadd.s32 s2, s23;
	s20 =	simm.s32 $0x5;
	s23 =	simm.s32 $0xC  }
0xf: {  	s21 =	simm.s32 $0x7;
	s0 =	sadd.s32 s19, s0;
	s22 =	sshrl.u32 s4, $0x3  }
0x10: {  	s24 =	sshll.u32 s3, $0xA;
	s25 =	smax.u32 s6, $0x1;
	[dreg:$0xa] =	wrdreg s2  }
0x11: {  	s31 =	sadd.s32 s11, s2;
	s0 =	sadd.s32 $0x400, s0;
	[dreg:$0x7] =	wrdreg s25  }
0x12: {  	s4 =	simm.s32 $0x13;
	[dreg:$0x5] =	wrdreg s0;
	s0 =	sadd.s32 s11, s22  }
0x13: {  	s3 =	simm.s32 $0x11;
	[dreg:$0xd] =	wrdreg s31;
	s0 =	sadd.s32 $0x63C00, s0  }
.Ltmp0:
0x14: {  	[dreg:$0x6] =	wrdreg s0;
	s0 =	sadd.s32 s24, s11;
	(pc) =	sbr.rel .LBB2_1-.Ltmp0, $4  }
0x15: {  	s6 =	simm.s32 $0x0;
	s26 =	sadd.s32 $0x1800, s0;
	[dreg:$0x8] =	wrdreg s0  }
0x16: {  	s25 =	simm.s32 $0x6;
	s29 =	sadd.s32 $0x1000, s0;
	[dreg:$0x9] =	wrdreg s26  }
0x17: {  	s24 =	simm.s32 $0x14400;
	s0 =	sadd.s32 $0x800, s0;
	[dreg:$0xb] =	wrdreg s29  }
0x18: {  	s11 =	simm.s32 $0x8;
	[dreg:$0xc] =	wrdreg s0;
	s0 =	simm.s32 $0xE  }
.LBB2_12:
0x19: {  	s2 =	simm.s32 $0x10  }
0x1a: {  	_ =	swait.ge [sflag:s2], $0x2000  }
0x1b: {  	[sflag:s2] =	ssyncset.done $0x0  }
0x1c: {  	s29 =	rddreg [dreg:$0x6];
	[sflag:s2] =	ssyncadd.s32 $0xFFFFE000  }
0x1d: {  	[hbm:s29], [sflag:s22] =	dma.local [spmem:s31], $0x400  }
0x1e: {  	_ =	swait.ge [sflag:s3], $0x400  }
0x1f: {  	[sflag:s3] =	ssyncset.done $0x0  }
0x20: {  	[sflag:s3] =	ssyncadd.s32 $0xFFFFFC00  }
0x21: {  	_ =	swait.ge [sflag:s28], $0x400  }
0x22: {  	[sflag:s28] =	ssyncset.done $0x0  }
0x23: {  	[sflag:s28] =	ssyncadd.s32 $0xFFFFFC00  }
0x24: {  	_ =	swait.ge [sflag:s4], $0x400  }
0x25: {  	[sflag:s4] =	ssyncset.done $0x0  }
0x26: {  	[sflag:s4] =	ssyncadd.s32 $0xFFFFFC00  }
0x27: {  	_ =	swait.ge [sflag:s9], $0x400  }
0x28: {  	s6 =	rddreg [dreg:$0xe]  }
0x29: {  	s31 =	rddreg [dreg:$0x7];
	s6 =	sadd.s32 $0x1, s6  }
0x2a: {  	p0 =	sne.s32 s6, s31  }
.Ltmp1:
0x2b: {  	_ = 	snop;
	(pc) =	sbr.rel @!p0 .LBB2_13-.Ltmp1, $3  }
0x2c: {  	_ =	sdelay $0x1  }
0x2d: {  	[sflag:s9] =	ssyncset.done $0x0  }
0x2e: {  	s18 =	simm.s32 $0x40;
	[sflag:s9] =	ssyncadd.s32 $0xFFFFFC00  }
.LBB2_1:
0x2f: {  	[dreg:$0xe] =	wrdreg s6  }
0x30: {  	s2 =	simm.s32 $0x0;
	s26 =	rddreg [dreg:$0x5];
	s29 =	simm.s32 $0x15  }
0x31: {  	[tilespmem:s2], [sflag:$0x15] =	stream.linear.gather [hbm4b:s26+s2], $0x6400, $0x38;
	[tilespmem:$0x1E400] =	vst v63  }
0x32: {  	_ =	swait.ge [sflag:s29], $0x6400  }
0x33: {  	[sflag:s29] =	ssyncset.done $0x0  }
0x34: {  	s31 =	simm.s32 $0x6400;
	[sflag:s29] =	ssyncadd.s32 $0xFFFF9C00  }
0x35: {  	[tilespmem:s31], [sflag:$0x1] =	stream.indirect.gather [hbm4b:s1+s18], $0x80, s2, s18, $0xb8;
	[tilespmem:$0x1E400] =	vst v63  }
0x36: {  	s6 =	simm.s32 $0x8400  }
0x37: {  	[tilespmem:s6], [sflag:$0x2] =	stream.indirect.gather [hbm4b:s1+s18], $0x80, s18, s18, $0xb8;
	[tilespmem:$0x1E400] =	vst v63  }
0x38: {  	s8 =	simm.s32 $0x80;
	s14 =	simm.s32 $0xA400  }
0x39: {  	[tilespmem:s14], [sflag:$0x3] =	stream.indirect.gather [hbm4b:s1+s18], $0x80, s8, s18, $0xb8;
	[tilespmem:$0x1E400] =	vst v63  }
0x3a: {  	s15 =	simm.s32 $0xC0;
	s17 =	simm.s32 $0xC400  }
0x3b: {  	[tilespmem:s17], [sflag:$0x4] =	stream.indirect.gather [hbm4b:s1+s18], $0x80, s15, s18, $0xb8;
	[tilespmem:$0x1E400] =	vst v63  }
0x3c: {  	s19 =	simm.s32 $0x100;
	s22 =	simm.s32 $0xE400  }
0x3d: {  	[tilespmem:s22], [sflag:$0x5] =	stream.indirect.gather [hbm4b:s1+s18], $0x80, s19, s18, $0xb8;
	[tilespmem:$0x1E400] =	vst v63  }
0x3e: {  	s26 =	simm.s32 $0x140;
	s29 =	simm.s32 $0x10400  }
0x3f: {  	[tilespmem:s29], [sflag:$0x6] =	stream.indirect.gather [hbm4b:s1+s18], $0x80, s26, s18, $0xb8;
	[tilespmem:$0x1E400] =	vst v63  }
0x40: {  	s31 =	simm.s32 $0x180;
	s14 =	simm.s32 $0x380;
	s15 =	simm.s32 $0x0  }
0x41: {  	[tilespmem:s16], [sflag:$0x7] =	stream.indirect.gather [hbm4b:s1+s18], $0x80, s31, s18, $0xb8;
	[tilespmem:$0x1E400] =	vst v63  }
.LBB2_2:
0x42: {  	s2 =	simm.s32 $0x1  }
0x43: {  	_ =	swait.ge [sflag:s2], $0x2000  }
0x44: {  	p0 =	sne.s32 s15, $0x0;
	[sflag:s2] =	ssyncset.done $0x0  }
0x45: {  	[sflag:s2] =	ssyncadd.s32 $0xFFFFE000;
	s2 =	simm.s32 @p0 $0x11  }
0x46: {  	_ =	swait.ge @p0 [sflag:s2], $0x400  }
0x47: {  	[sflag:s2] =	ssyncset.done @p0 $0x0  }
0x48: {  	[sflag:s2] =	ssyncadd.s32 @p0 $0xFFFFFC00;
	s2 =	simm.s32 @p0 $0x6400  }
0x49: {  	[spmem:s5] =	stream.linear.scatter @p0 [tilespmem:s2], [sflag:$0x9], $0x2000, $0x38;
	[tilespmem:$0x1E400] =	vst v63  }
0x4a: {  	s2 =	simm.s32 @p0 $0x10  }
0x4b: {  	_ =	swait.ge @p0 [sflag:s2], $0x2000  }
0x4c: {  	s6 =	rddreg [dreg:$0xa]  }
0x4d: {  	[sflag:s2] =	ssyncset.done @p0 $0x0;
	s16 =	sadd.s32 @p0 s15, s6  }
0x4e: {  	[sflag:s2] =	ssyncadd.s32 @p0 $0xFFFFE000;
	s6 =	stileid.u32;
	s16 =	sadd.s32 @p0 $0x1FFFFC00, s16  }
0x4f: {  	s8 =	rddreg [dreg:$0x2];
	s2 =	sand.u32 @p0 $0x1FFFFC00, s16;
	s16 =	sshll.u32 @p0 s6, $0x6  }
0x50: {  	s17 =	sshrl.u32 @p0 s7, $0x3;
	s2 =	sadd.s32 @p0 s8, s2;
	s16 =	sor.u32 @p0 $0x1C14, s16  }
0x51: {  	[hbm:s2], [sflag:s16] =	dma.local @p0 [spmem:s17], $0x400  }
0x52: {  	s2 =	simm.s32 @!p0 $0x6400  }
0x53: {  	[spmem:s5] =	stream.linear.scatter @!p0 [tilespmem:s2], [sflag:$0x9], $0x2000, $0x38;
	[tilespmem:$0x1E400] =	vst v63  }
0x54: {  	s22 =	sadd.s32 $0xFFFFFE40, s14  }
0x55: {  	[tilespmem:s24], [sflag:$0x8] =	stream.indirect.gather [hbm4b:s1+s18], $0x80, s22, s18, $0xb8;
	[tilespmem:$0x1E400] =	vst v63  }
0x56: {  	s24 =	simm.s32 $0x2  }
0x57: {  	_ =	swait.ge [sflag:s24], $0x2000  }
0x58: {  	p0 =	seq.s32 s15, $0x0;
	[sflag:s24] =	ssyncset.done $0x0  }
0x59: {  	s2 =	simm.s32 @!p0 $0x12;
	[sflag:s24] =	ssyncadd.s32 $0xFFFFE000  }
0x5a: {  	_ =	swait.ge @!p0 [sflag:s2], $0x400  }
0x5b: {  	[sflag:s2] =	ssyncset.done @!p0 $0x0  }
0x5c: {  	s26 =	simm.s32 $0x8400;
	p1 =	sne.s32 s15, $0x62000;
	[sflag:s2] =	ssyncadd.s32 @!p0 $0xFFFFFC00  }
0x5d: {  	[spmem:s10] =	stream.linear.scatter [tilespmem:s26], [sflag:$0xA], $0x2000, $0x38;
	[tilespmem:$0x1E400] =	vst v63  }
.Ltmp2:
0x5e: {  	s29 =	simm.s32 $0x9;
	(pc) =	sbr.rel @p1 .LBB2_4-.Ltmp2, $4  }
0x5f: {  	s17 =	sshrl.u32 s5, $0x3;
	_ =	swait.ge [sflag:s29], $0x2000  }
0x60: {  	s22 =	sshll.u32 s6, $0x6;
	[sflag:s29] =	ssyncset.done $0x0;
	s31 =	rddreg [dreg:$0xd]  }
0x61: {  	s16 =	sor.u32 $0x1C11, s22;
	[sflag:s29] =	ssyncadd.s32 $0xFFFFE000;
	s2 =	sadd.s32 s15, s31  }
0x62: {  	[hbm:s2], [sflag:s16] =	dma.local [spmem:s17], $0x400  }
.Ltmp3:
0x63: {  	(pc) =	sbr.rel .LBB2_5-.Ltmp3, $4  }
0x64: {  	s2 =	simm.s32 $0x3  }
0x65: {  	_ =	swait.ge [sflag:s2], $0x2000  }
0x66: {  	[sflag:s2] =	ssyncset.done $0x0  }
0x67: {  	[sflag:s2] =	ssyncadd.s32 $0xFFFFE000  }
.LBB2_4:
0x68: {  	s2 =	sadd.s32 $0xFFFFFE80, s14  }
.Ltmp4:
0x69: {  	s6 =	simm.s32 $0x6400;
	s31 =	simm.s32 $0x3;
	(pc) =	sbr.rel @p0 .LBB2_6-.Ltmp4, $4  }
0x6a: {  	[tilespmem:s6], [sflag:$0x1] =	stream.indirect.gather [hbm4b:s1+s18], $0x80, s2, s18, $0xb8;
	[tilespmem:$0x1E400] =	vst v63  }
0x6b: {  	_ =	swait.ge [sflag:s31], $0x2000  }
0x6c: {  	[sflag:s31] =	ssyncset.done $0x0  }
0x6d: {  	[sflag:s31] =	ssyncadd.s32 $0xFFFFE000  }
.LBB2_5:
0x6e: {  	_ =	swait.ge [sflag:s4], $0x400  }
0x6f: {  	[sflag:s4] =	ssyncset.done $0x0  }
0x70: {  	[sflag:s4] =	ssyncadd.s32 $0xFFFFFC00  }
.LBB2_6:
0x71: {  	s2 =	simm.s32 $0xA400;
	s29 =	simm.s32 $0xA  }
0x72: {  	[spmem:s12] =	stream.linear.scatter [tilespmem:s2], [sflag:$0xB], $0x2000, $0x38;
	[tilespmem:$0x1E400] =	vst v63  }
.Ltmp5:
0x73: {  	_ =	swait.ge [sflag:s29], $0x2000;
	(pc) =	sbr.rel @p1 .LBB2_8-.Ltmp5, $4  }
0x74: {  	s31 =	rddreg [dreg:$0x8]  }
0x75: {  	s24 =	sor.u32 $0x1C12, s22;
	[sflag:s29] =	ssyncset.done $0x0;
	s2 =	sadd.s32 s15, s31  }
0x76: {  	s26 =	sshrl.u32 s10, $0x3;
	[sflag:s29] =	ssyncadd.s32 $0xFFFFE000;
	s19 =	sadd.s32 $0x400, s2  }
0x77: {  	[hbm:s19], [sflag:s24] =	dma.local [spmem:s26], $0x400  }
.Ltmp6:
0x78: {  	(pc) =	sbr.rel .LBB2_9-.Ltmp6, $4  }
0x79: {  	s6 =	simm.s32 $0x4  }
0x7a: {  	_ =	swait.ge [sflag:s6], $0x2000  }
0x7b: {  	[sflag:s6] =	ssyncset.done $0x0  }
0x7c: {  	[sflag:s6] =	ssyncadd.s32 $0xFFFFE000  }
.LBB2_8:
0x7d: {  	s19 =	sadd.s32 $0xFFFFFEC0, s14  }
.Ltmp7:
0x7e: {  	s6 =	simm.s32 $0x8400;
	s31 =	simm.s32 $0x4;
	(pc) =	sbr.rel @p0 .LBB2_10-.Ltmp7, $4  }
0x7f: {  	[tilespmem:s6], [sflag:$0x2] =	stream.indirect.gather [hbm4b:s1+s18], $0x80, s19, s18, $0xb8;
	[tilespmem:$0x1E400] =	vst v63  }
0x80: {  	_ =	swait.ge [sflag:s31], $0x2000  }
0x81: {  	[sflag:s31] =	ssyncset.done $0x0  }
0x82: {  	[sflag:s31] =	ssyncadd.s32 $0xFFFFE000  }
.LBB2_9:
0x83: {  	_ =	swait.ge [sflag:s9], $0x400  }
0x84: {  	[sflag:s9] =	ssyncset.done $0x0  }
0x85: {  	[sflag:s9] =	ssyncadd.s32 $0xFFFFFC00  }
.LBB2_10:
0x86: {  	s6 =	simm.s32 $0xC400;
	s29 =	simm.s32 $0xB  }
0x87: {  	[spmem:s7] =	stream.linear.scatter [tilespmem:s6], [sflag:$0xC], $0x2000, $0x38;
	[tilespmem:$0x1E400] =	vst v63  }
0x88: {  	p0 =	seq.s32 s15, $0x62000;
	_ =	swait.ge [sflag:s29], $0x2000  }
0x89: {  	s19 =	sor.u32 $0x1C13, s22;
	[sflag:s29] =	ssyncset.done $0x0;
	s8 =	rddreg [dreg:$0xc]  }
0x8a: {  	[sflag:s29] =	ssyncadd.s32 $0xFFFFE000;
	s31 =	sadd.s32 s15, s8;
	s29 =	sshrl.u32 s12, $0x3  }
0x8b: {  	[hbm:s31], [sflag:s19] =	dma.local [spmem:s29], $0x400  }
0x8c: {  	s6 =	simm.s32 @!p0 $0x40;
	s8 =	simm.s32 @!p0 $0xA400;
	s31 =	sadd.s32 @!p0 $0xFFFFFF00, s14  }
0x8d: {  	[tilespmem:s8], [sflag:$0x3] =	stream.indirect.gather @!p0 [hbm4b:s1+s6], $0x80, s31, s6, $0xb8;
	[tilespmem:$0x1E400] =	vst v63  }
0x8e: {  	_ =	swait.ge [sflag:s20], $0x2000  }
0x8f: {  	[sflag:s20] =	ssyncset.done $0x0  }
0x90: {  	[sflag:s20] =	ssyncadd.s32 $0xFFFFE000  }
0x91: {  	_ =	swait.ge [sflag:s3], $0x400  }
0x92: {  	[sflag:s3] =	ssyncset.done $0x0  }
0x93: {  	s18 =	simm.s32 $0xE400;
	[sflag:s3] =	ssyncadd.s32 $0xFFFFFC00  }
0x94: {  	[spmem:s5] =	stream.linear.scatter [tilespmem:s18], [sflag:$0xD], $0x2000, $0x38;
	[tilespmem:$0x1E400] =	vst v63  }
0x95: {  	_ =	swait.ge [sflag:s23], $0x2000  }
0x96: {  	s22 =	sor.u32 $0x1C14, s22;
	[sflag:s23] =	ssyncset.done $0x0  }
0x97: {  	s31 =	sshrl.u32 s7, $0x3;
	s18 =	sadd.s32 $0xC00, s2;
	[sflag:s23] =	ssyncadd.s32 $0xFFFFE000  }
0x98: {  	[hbm:s18], [sflag:s22] =	dma.local [spmem:s31], $0x400  }
0x99: {  	s8 =	sadd.s32 @!p0 $0xFFFFFF40, s14;
	s18 =	simm.s32 @!p0 $0xC400  }
0x9a: {  	[tilespmem:s18], [sflag:$0x4] =	stream.indirect.gather @!p0 [hbm4b:s1+s6], $0x80, s8, s6, $0xb8;
	[tilespmem:$0x1E400] =	vst v63  }
0x9b: {  	_ =	swait.ge [sflag:s25], $0x2000  }
0x9c: {  	[sflag:s25] =	ssyncset.done $0x0  }
0x9d: {  	[sflag:s25] =	ssyncadd.s32 $0xFFFFE000  }
0x9e: {  	_ =	swait.ge [sflag:s28], $0x400  }
0x9f: {  	[sflag:s28] =	ssyncset.done $0x0  }
0xa0: {  	s18 =	simm.s32 $0x10400;
	[sflag:s28] =	ssyncadd.s32 $0xFFFFFC00  }
0xa1: {  	[spmem:s10] =	stream.linear.scatter [tilespmem:s18], [sflag:$0xE], $0x2000, $0x38;
	[tilespmem:$0x1E400] =	vst v63  }
0xa2: {  	_ =	swait.ge [sflag:s30], $0x2000  }
0xa3: {  	[sflag:s30] =	ssyncset.done $0x0;
	s18 =	rddreg [dreg:$0xb]  }
0xa4: {  	[sflag:s30] =	ssyncadd.s32 $0xFFFFE000;
	s8 =	sadd.s32 s15, s18  }
0xa5: {  	[hbm:s8], [sflag:s16] =	dma.local [spmem:s17], $0x400  }
0xa6: {  	s8 =	sadd.s32 @!p0 $0xFFFFFF80, s14;
	s16 =	simm.s32 @!p0 $0xE400  }
0xa7: {  	[tilespmem:s16], [sflag:$0x5] =	stream.indirect.gather @!p0 [hbm4b:s1+s6], $0x80, s8, s6, $0xb8;
	[tilespmem:$0x1E400] =	vst v63  }
0xa8: {  	_ =	swait.ge [sflag:s21], $0x2000  }
0xa9: {  	[sflag:s21] =	ssyncset.done $0x0  }
0xaa: {  	[sflag:s21] =	ssyncadd.s32 $0xFFFFE000  }
0xab: {  	_ =	swait.ge [sflag:s4], $0x400  }
0xac: {  	[sflag:s4] =	ssyncset.done $0x0  }
0xad: {  	s16 =	simm.s32 $0x12400;
	[sflag:s4] =	ssyncadd.s32 $0xFFFFFC00  }
0xae: {  	[spmem:s12] =	stream.linear.scatter [tilespmem:s16], [sflag:$0xF], $0x2000, $0x38;
	[tilespmem:$0x1E400] =	vst v63  }
0xaf: {  	_ =	swait.ge [sflag:s0], $0x2000  }
0xb0: {  	s18 =	sadd.s32 $0x1400, s2;
	[sflag:s0] =	ssyncset.done $0x0  }
0xb1: {  	s2 =	sadd.s32 @!p0 $0xFFFFFFC0, s14;
	s8 =	simm.s32 @!p0 $0x10400;
	[sflag:s0] =	ssyncadd.s32 $0xFFFFE000  }
0xb2: {  	[hbm:s18], [sflag:s24] =	dma.local [spmem:s26], $0x400  }
0xb3: {  	[tilespmem:s8], [sflag:$0x6] =	stream.indirect.gather @!p0 [hbm4b:s1+s6], $0x80, s2, s6, $0xb8;
	[tilespmem:$0x1E400] =	vst v63  }
0xb4: {  	_ =	swait.ge [sflag:s11], $0x2000  }
0xb5: {  	[sflag:s11] =	ssyncset.done $0x0  }
0xb6: {  	[sflag:s11] =	ssyncadd.s32 $0xFFFFE000  }
0xb7: {  	_ =	swait.ge [sflag:s9], $0x400  }
0xb8: {  	[sflag:s9] =	ssyncset.done $0x0  }
0xb9: {  	s24 =	simm.s32 $0x14400;
	[sflag:s9] =	ssyncadd.s32 $0xFFFFFC00  }
0xba: {  	[spmem:s7] =	stream.linear.scatter [tilespmem:s24], [sflag:$0x10], $0x2000, $0x38;
	[tilespmem:$0x1E400] =	vst v63  }
.Ltmp8:
0xbb: {  	_ = 	snop;
	(pc) =	sbr.rel @p0 .LBB2_12-.Ltmp8, $4  }
0xbc: {  	_ =	swait.ge [sflag:s13], $0x2000  }
0xbd: {  	[sflag:s13] =	ssyncset.done $0x0;
	s26 =	rddreg [dreg:$0x9]  }
0xbe: {  	[sflag:s13] =	ssyncadd.s32 $0xFFFFE000;
	s2 =	sadd.s32 s15, s26  }
0xbf: {  	[hbm:s2], [sflag:s19] =	dma.local [spmem:s29], $0x400  }
.Ltmp9:
0xc0: {  	(pc) =	sbr.rel .LBB2_2-.Ltmp9, $4  }
0xc1: {  	_ = 	snop  }
0xc2: {  	s18 =	simm.s32 $0x40  }
0xc3: {  	[tilespmem:s16], [sflag:$0x7] =	stream.indirect.gather [hbm4b:s1+s18], $0x80, s14, s18, $0xb8;
	[tilespmem:$0x1E400] =	vst v63  }
0xc4: {  	s15 =	sadd.s32 $0x2000, s15;
	s14 =	sadd.s32 $0x200, s14  }
.LBB2_13:
0xc5: {  	_ =	sfence.sel $0x180000  }
0xc6: {  	[bflag:$0x0] =	sbarrier.arrive $0xFFFF  }
0xc7: {  	_ =	strace $0x90000047  }
0xc8: {  	s0 =	stileid.u32;
	[bflag:$0x2] =	sbarrier.arrive $0xFFFF  }
0xc9: {  	p0 =	sne.s32 s0, $0x0;
	s0 =	rddreg [dreg:$0x4]  }
0xca: {  	s0 =	sadd.s32 @!p0 $0x100000, s0  }
0xcb: {  	[sflag:s0] =	ssyncadd.tile.s32 @!p0 $0x1;
	_ =	shalt  }
.Lfunc_end2:
_tile_overlayer_lowered:
.L_overlay_start_2:
0xcc: {  	(tag) =	ssettag $0x2  }
0xcd: {  	s0 =	rddreg [dreg:$0x0];
	s2 =	stileid.u32  }
0xce: {  	s1 =	rddreg [dreg:$0x1];
	p0 =	sne.s32 s2, $0x0  }
0xcf: {  	s3 =	rddreg [dreg:$0x2];
	[bflag:$0x3] =	sbarrier.arrive $0xFFFF;
	s2 =	simm.s32 @!p0 $0x1C15  }
0xd0: {  	[timem:s3], [sflag:s2] =	dma.local @!p0 [hbm:s0], s1  }
0xd1: {  	s0 =	simm.s32 @!p0 $0x15  }
0xd2: {  	_ =	swait.ge @!p0 [sflag:s0], s1  }
0xd3: {  	s1 =	ssub.s32 @!p0 $0x0, s1;
	[sflag:s0] =	ssyncset.done @!p0 $0x0  }
0xd4: {  	[sflag:s0] =	ssyncadd.s32 @!p0 s1  }
0xd5: {  	[bflag:$0x3] =	sbarrier.arrive $0xFFFF  }
0xd6: {  	_ =	shalt  }

</sc_bundles>
